<compile_context>
chip_gen: v7x
topology: tpu7x:2x2x1
jax: 0.10.2.dev20260603
libtpu: 0.0.44.dev20260713+nightly
codegen_flags: <defaults>
</compile_context>

<pallas_src>
import functools

import jax
import jax.numpy as jnp
from jax import lax
from jax.experimental import pallas as pl
from jax.experimental.pallas import tpu as pltpu
from jax.experimental.pallas import tpu_sc as plsc

IMG = 512
NPIX = IMG * IMG
NB = 4
NPTS = 65536
NC, NS, VL = 2, 16, 16
PPT = NPTS // NS
BPC = NB // NC
SH_WORDS = 3 * NPIX
TILE_WORDS = SH_WORDS // NS
CHUNK = 12288
OUT_WORDS = NB * 3 * NPIX


def _body(uv_hbm, pos_hbm, out_hbm, ch_v, idx_v, val_v, obuf_v, acc_sh, sem):
    c = lax.axis_index("c")
    s = lax.axis_index("s")
    sh_base = s * TILE_WORDS

    for k in range(BPC):
        b = BPC * c + k

        zeros = jnp.zeros((VL,), jnp.float32)

        def zero_body(i, carry):
            obuf_v[pl.ds(i * VL, VL)] = zeros
            return carry

        lax.fori_loop(0, CHUNK // VL, zero_body, 0)
        for j in range(TILE_WORDS // CHUNK):
            pltpu.sync_copy(obuf_v,
                            acc_sh.at[pl.ds(sh_base + j * CHUNK, CHUNK)])
        plsc.subcore_barrier()

        srcs = ((uv_hbm, 0), (uv_hbm, 1), (uv_hbm, 10), (uv_hbm, 11),
                (uv_hbm, 12), (uv_hbm, 13), (pos_hbm, 0), (pos_hbm, 1))
        copies = [
            pltpu.async_copy(ref.at[b, ch, pl.ds(s * PPT, PPT)],
                             ch_v.at[ci], sem)
            for ci, (ref, ch) in enumerate(srcs)
        ]
        for cp in copies:
            cp.wait()

        def comp_body(i, carry):
            sl = pl.ds(i * VL, VL)
            xf = (ch_v[6, sl] + ch_v[0, sl] + 1.0) * 256.0
            yf = (ch_v[7, sl] + ch_v[1, sl] + 1.0) * 256.0
            xi = jnp.clip(xf, 0.0, 511.0).astype(jnp.int32)
            yi = jnp.clip(yf, 0.0, 511.0).astype(jnp.int32)
            pix = yi * IMG + xi
            opac = 1.0 / (1.0 + jnp.exp(-ch_v[2, sl]))
            idx_v[sl] = pix
            idx_v[pl.ds(PPT + i * VL, VL)] = pix + NPIX
            idx_v[pl.ds(2 * PPT + i * VL, VL)] = pix + 2 * NPIX
            val_v[sl] = ch_v[3, sl] * opac
            val_v[pl.ds(PPT + i * VL, VL)] = ch_v[4, sl] * opac
            val_v[pl.ds(2 * PPT + i * VL, VL)] = ch_v[5, sl] * opac
            return carry

        lax.fori_loop(0, PPT // VL, comp_body, 0)
        pltpu.sync_copy(val_v, acc_sh.at[idx_v], add=True)

        plsc.subcore_barrier()

        out_base = b * SH_WORDS + sh_base
        for j in range(TILE_WORDS // CHUNK):
            pltpu.sync_copy(acc_sh.at[pl.ds(sh_base + j * CHUNK, CHUNK)],
                            obuf_v)

            def clip_body(i, carry):
                sl = pl.ds(i * VL, VL)
                obuf_v[sl] = jnp.clip(obuf_v[sl], 0.0, 1.0)
                return carry

            lax.fori_loop(0, CHUNK // VL, clip_body, 0)
            pltpu.sync_copy(obuf_v,
                            out_hbm.at[pl.ds(out_base + j * CHUNK, CHUNK)])

        plsc.subcore_barrier()


_render = pl.kernel(
    _body,
    out_type=jax.ShapeDtypeStruct((OUT_WORDS,), jnp.float32),
    mesh=plsc.VectorSubcoreMesh(core_axis_name="c", subcore_axis_name="s"),
    scratch_types=[
        pltpu.VMEM((8, PPT), jnp.float32),
        pltpu.VMEM((3 * PPT,), jnp.int32),
        pltpu.VMEM((3 * PPT,), jnp.float32),
        pltpu.VMEM((CHUNK,), jnp.float32),
        pltpu.VMEM_SHARED((SH_WORDS,), jnp.float32),
        pltpu.SemaphoreType.DMA,
    ],
)


def kernel(uv_maps, position_map):
    uv = uv_maps.reshape(NB, 14, NPTS)
    pos = position_map.reshape(NB, 3, NPTS)
    out = _render(uv, pos)
    return out.reshape(NB, 3, IMG, IMG)

# --- scband reference (transcript-rebuilt; emitter-appended) ---
"""Pipeline reference for scband-gaussian-renderer-33320356282417 (READ-ONLY COPY).

The authoritative reference and input builder live on the scoring server;
editing this copy changes nothing except your own understanding.
"""

import jax, jax.numpy as jnp
import numpy as np

UV = 256
IMG = 512
B = 4

def setup_inputs(seed: int = 0) -> dict:
    key = jax.random.key(seed)
    k1, k2 = jax.random.split(key)
    uv_maps = jax.random.normal(k1, (B, 14, UV, UV), dtype=jnp.float32)
    position_map = jax.random.normal(k2, (B, 3, UV, UV), dtype=jnp.float32)
    return {"uv_maps": uv_maps, "position_map": position_map}

def _flatten_uv(t):
    b, c, h, w = t.shape
    # uv_mask is all-ones so masking is identity; flatten to (B, H*W, C)
    return jnp.transpose(t.reshape(b, c, h * w), (0, 2, 1))

def reference(uv_maps, position_map):
    pos_offset = uv_maps[:, 0:3]
    rotation = uv_maps[:, 3:7]
    scale = uv_maps[:, 7:10]
    opacity = uv_maps[:, 10:11]
    color = uv_maps[:, 11:14]
    positions_map = position_map + pos_offset

    positions = _flatten_uv(positions_map)          # (B, N, 3)
    rotations = _flatten_uv(rotation)               # (B, N, 4)
    norm = jnp.clip(jnp.linalg.norm(rotations, axis=-1, keepdims=True), 1e-12, None)
    rotations = rotations / norm
    scales = jnp.exp(_flatten_uv(scale))            # (B, N, 3)
    opacities = jax.nn.sigmoid(_flatten_uv(opacity))  # (B, N, 1)
    colors = _flatten_uv(color)                     # (B, N, 3)

    # _neural_render fallback (gsplat unavailable): scatter-add splats
    H = W = IMG
    pos_2d = positions[:, :, :2]
    # .long() in torch detaches gradient -> stop_gradient before int cast
    px = jnp.clip((( jax.lax.stop_gradient(pos_2d[:, :, 0]) + 1.0) * 0.5 * W).astype(jnp.int32), 0, W - 1)
    py = jnp.clip((( jax.lax.stop_gradient(pos_2d[:, :, 1]) + 1.0) * 0.5 * H).astype(jnp.int32), 0, H - 1)
    vals = colors * opacities                       # (B, N, 3)

    def render_one(px_b, py_b, vals_b):
        img = jnp.zeros((H, W, 3), dtype=jnp.float32)
        img = img.at[py_b, px_b].add(vals_b)
        return jnp.transpose(img, (2, 0, 1))

    img = jax.vmap(render_one)(px, py, vals)        # (B, 3, H, W)
    return jnp.clip(img, 0.0, 1.0)

if __name__ == "__main__":
    import jax
    _d = setup_inputs()
    print(jax.jit(kernel)(*tuple(_d.values())))

</pallas_src>

<mosaic_0001>
#map = affine_map<(d0, d1) -> (0, 0, 0)>
#map1 = affine_map<(d0, d1) -> (0)>
module attributes {stable_mosaic.version = 14 : i64} {
  func.func @_body(%arg0: i32, %arg1: i32, %arg2: memref<4x14x65536xf32, #tpu.memory_space<hbm>>, %arg3: memref<4x3x65536xf32, #tpu.memory_space<hbm>>, %arg4: memref<3145728xf32, #tpu.memory_space<hbm>>, %arg5: memref<8x4096xf32, #tpu.memory_space<vmem>>, %arg6: memref<12288xi32, #tpu.memory_space<vmem>>, %arg7: memref<12288xf32, #tpu.memory_space<vmem>>, %arg8: memref<12288xf32, #tpu.memory_space<vmem>>, %arg9: memref<786432xf32, #tpu.memory_space<vmem_shared>>, %arg10: memref<!tpu.dma_semaphore, #tpu.memory_space<semaphore_mem>>) attributes {dimension_semantics = [#tpu.dimension_semantics<core_parallel>, #tpu.dimension_semantics<subcore_parallel>], iteration_bounds = array<i64: 2, 16>, scalar_prefetch = 0 : i64, scratch_operands = 6 : i64, tpu.core_type = #tpu.core_type<sc_vector_subcore>, window_params = [{transform_indices = #map}, {transform_indices = #map}, {transform_indices = #map1}]} {
    %mul3A = arith.constant 49152 : i32
    %mul3A_0 = arith.muli %arg1, %mul3A : i32
    %mul3A_1 = arith.constant 2 : i32
    %mul3A_2 = arith.muli %mul3A_1, %arg0 : i32
    %add3A = arith.constant 0 : i32
    %add3A_3 = arith.addi %mul3A_2, %add3A : i32
    %broadcast_in_dim3A = arith.constant 0.000000e+00 : f32
    %broadcast_in_dim3A_4 = vector.broadcast %broadcast_in_dim3A : f32 to vector<16xf32>
    %scan3A = arith.constant 0 : i32
    %scan3A_5 = arith.constant 0 : i32
    %scan3A_6 = arith.constant 768 : i32
    %scan3A_7 = arith.addi %scan3A_5, %scan3A_6 : i32
    %scan3A_8 = arith.constant 1 : i32
    scf.for %scan3A_555 = %scan3A_5 to %scan3A_7 step %scan3A_8  : i32 {
      %mul3A_556 = arith.constant 16 : i32
      %mul3A_557 = arith.muli %scan3A_555, %mul3A_556 : i32
      %swap3A = arith.index_cast %mul3A_557 : i32 to index
      %swap3A_558 = tpu.vector_load %arg8[%swap3A] {strides = array<i32>} : memref<12288xf32, #tpu.memory_space<vmem>>, vector<16xf32>,
      %swap3A_559 = vector.shape_cast %swap3A_558 : vector<16xf32> to vector<16xf32>
      %swap3A_560 = vector.shape_cast %broadcast_in_dim3A_4 : vector<16xf32> to vector<16xf32>
      tpu.vector_store %arg8[%swap3A], %swap3A_560 {strides = array<i32>} : memref<12288xf32, #tpu.memory_space<vmem>>, vector<16xf32>,
    }
    %scan3A_9 = arith.constant 768 : i32
    %add3A_10 = arith.constant 0 : i32
    %add3A_11 = arith.addi %mul3A_0, %add3A_10 : i32
    "tpu.region"() ({
      %run_scoped3A = tpu.sem_alloc : memref<!tpu.dma_semaphore, #tpu.memory_space<semaphore_mem>>
      %dma_start3A_555 = tpu.memref_slice %arg9[%add3A_11] : memref<786432xf32, #tpu.memory_space<vmem_shared>> -> memref<12288xf32, #tpu.memory_space<vmem_shared>>
      %dma_start3A_556 = tpu.memref_slice %arg9[%add3A_11] : memref<786432xf32, #tpu.memory_space<vmem_shared>> -> memref<12288xf32, #tpu.memory_space<vmem_shared>>
      tpu.enqueue_dma source(%arg8 : memref<12288xf32, #tpu.memory_space<vmem>>) target(%dma_start3A_556 : memref<12288xf32, #tpu.memory_space<vmem_shared>>) target_semaphore(%run_scoped3A : memref<!tpu.dma_semaphore, #tpu.memory_space<semaphore_mem>>)
      %dma_wait3A_557 = tpu.memref_slice %arg9[%add3A_11] : memref<786432xf32, #tpu.memory_space<vmem_shared>> -> memref<12288xf32, #tpu.memory_space<vmem_shared>>
      %dma_wait3A_558 = tpu.memref_slice %arg9[%add3A_11] : memref<786432xf32, #tpu.memory_space<vmem_shared>> -> memref<12288xf32, #tpu.memory_space<vmem_shared>>
      tpu.wait_dma2 semaphore(%run_scoped3A : memref<!tpu.dma_semaphore, #tpu.memory_space<semaphore_mem>>) src(%arg8 : memref<12288xf32, #tpu.memory_space<vmem>>) dst(%dma_wait3A_558 : memref<12288xf32, #tpu.memory_space<vmem_shared>>)
      tpu.yield
    }) : () -> ()
    %add3A_12 = arith.constant 12288 : i32
    %add3A_13 = arith.addi %mul3A_0, %add3A_12 : i32
    "tpu.region"() ({
      %run_scoped3A = tpu.sem_alloc : memref<!tpu.dma_semaphore, #tpu.memory_space<semaphore_mem>>
      %dma_start3A_555 = tpu.memref_slice %arg9[%add3A_13] : memref<786432xf32, #tpu.memory_space<vmem_shared>> -> memref<12288xf32, #tpu.memory_space<vmem_shared>>
      %dma_start3A_556 = tpu.memref_slice %arg9[%add3A_13] : memref<786432xf32, #tpu.memory_space<vmem_shared>> -> memref<12288xf32, #tpu.memory_space<vmem_shared>>
      tpu.enqueue_dma source(%arg8 : memref<12288xf32, #tpu.memory_space<vmem>>) target(%dma_start3A_556 : memref<12288xf32, #tpu.memory_space<vmem_shared>>) target_semaphore(%run_scoped3A : memref<!tpu.dma_semaphore, #tpu.memory_space<semaphore_mem>>)
      %dma_wait3A_557 = tpu.memref_slice %arg9[%add3A_13] : memref<786432xf32, #tpu.memory_space<vmem_shared>> -> memref<12288xf32, #tpu.memory_space<vmem_shared>>
      %dma_wait3A_558 = tpu.memref_slice %arg9[%add3A_13] : memref<786432xf32, #tpu.memory_space<vmem_shared>> -> memref<12288xf32, #tpu.memory_space<vmem_shared>>
      tpu.wait_dma2 semaphore(%run_scoped3A : memref<!tpu.dma_semaphore, #tpu.memory_space<semaphore_mem>>) src(%arg8 : memref<12288xf32, #tpu.memory_space<vmem>>) dst(%dma_wait3A_558 : memref<12288xf32, #tpu.memory_space<vmem_shared>>)
      tpu.yield
    }) : () -> ()
    %add3A_14 = arith.constant 24576 : i32
    %add3A_15 = arith.addi %mul3A_0, %add3A_14 : i32
    "tpu.region"() ({
      %run_scoped3A = tpu.sem_alloc : memref<!tpu.dma_semaphore, #tpu.memory_space<semaphore_mem>>
      %dma_start3A_555 = tpu.memref_slice %arg9[%add3A_15] : memref<786432xf32, #tpu.memory_space<vmem_shared>> -> memref<12288xf32, #tpu.memory_space<vmem_shared>>
      %dma_start3A_556 = tpu.memref_slice %arg9[%add3A_15] : memref<786432xf32, #tpu.memory_space<vmem_shared>> -> memref<12288xf32, #tpu.memory_space<vmem_shared>>
      tpu.enqueue_dma source(%arg8 : memref<12288xf32, #tpu.memory_space<vmem>>) target(%dma_start3A_556 : memref<12288xf32, #tpu.memory_space<vmem_shared>>) target_semaphore(%run_scoped3A : memref<!tpu.dma_semaphore, #tpu.memory_space<semaphore_mem>>)
      %dma_wait3A_557 = tpu.memref_slice %arg9[%add3A_15] : memref<786432xf32, #tpu.memory_space<vmem_shared>> -> memref<12288xf32, #tpu.memory_space<vmem_shared>>
      %dma_wait3A_558 = tpu.memref_slice %arg9[%add3A_15] : memref<786432xf32, #tpu.memory_space<vmem_shared>> -> memref<12288xf32, #tpu.memory_space<vmem_shared>>
      tpu.wait_dma2 semaphore(%run_scoped3A : memref<!tpu.dma_semaphore, #tpu.memory_space<semaphore_mem>>) src(%arg8 : memref<12288xf32, #tpu.memory_space<vmem>>) dst(%dma_wait3A_558 : memref<12288xf32, #tpu.memory_space<vmem_shared>>)
      tpu.yield
    }) : () -> ()
    %add3A_16 = arith.constant 36864 : i32
    %add3A_17 = arith.addi %mul3A_0, %add3A_16 : i32
    "tpu.region"() ({
      %run_scoped3A = tpu.sem_alloc : memref<!tpu.dma_semaphore, #tpu.memory_space<semaphore_mem>>
      %dma_start3A_555 = tpu.memref_slice %arg9[%add3A_17] : memref<786432xf32, #tpu.memory_space<vmem_shared>> -> memref<12288xf32, #tpu.memory_space<vmem_shared>>
      %dma_start3A_556 = tpu.memref_slice %arg9[%add3A_17] : memref<786432xf32, #tpu.memory_space<vmem_shared>> -> memref<12288xf32, #tpu.memory_space<vmem_shared>>
      tpu.enqueue_dma source(%arg8 : memref<12288xf32, #tpu.memory_space<vmem>>) target(%dma_start3A_556 : memref<12288xf32, #tpu.memory_space<vmem_shared>>) target_semaphore(%run_scoped3A : memref<!tpu.dma_semaphore, #tpu.memory_space<semaphore_mem>>)
      %dma_wait3A_557 = tpu.memref_slice %arg9[%add3A_17] : memref<786432xf32, #tpu.memory_space<vmem_shared>> -> memref<12288xf32, #tpu.memory_space<vmem_shared>>
      %dma_wait3A_558 = tpu.memref_slice %arg9[%add3A_17] : memref<786432xf32, #tpu.memory_space<vmem_shared>> -> memref<12288xf32, #tpu.memory_space<vmem_shared>>
      tpu.wait_dma2 semaphore(%run_scoped3A : memref<!tpu.dma_semaphore, #tpu.memory_space<semaphore_mem>>) src(%arg8 : memref<12288xf32, #tpu.memory_space<vmem>>) dst(%dma_wait3A_558 : memref<12288xf32, #tpu.memory_space<vmem_shared>>)
      tpu.yield
    }) : () -> ()
    %barrier3A = arith.constant 0 : index
    tpu.barrier barrier_id(%barrier3A)
    %mul3A_18 = arith.constant 4096 : i32
    %mul3A_19 = arith.muli %arg1, %mul3A_18 : i32
    %dma_start3A = arith.constant 0 : i32
    %dma_start3A_20 = arith.constant 0 : i32
    %dma_start3A_21 = arith.constant 0 : i32
    %dma_start3A_22 = tpu.memref_slice %arg5[%dma_start3A_20, %dma_start3A_21] : memref<8x4096xf32, #tpu.memory_space<vmem>> -> memref<1x4096xf32, #tpu.memory_space<vmem>>
    %dma_start3A_23 = tpu.memref_squeeze %dma_start3A_22 : memref<1x4096xf32, #tpu.memory_space<vmem>> -> memref<4096xf32, #tpu.memory_space<vmem>>
    %dma_start3A_24 = tpu.memref_slice %arg2[%add3A_3, %dma_start3A, %mul3A_19] : memref<4x14x65536xf32, #tpu.memory_space<hbm>> -> memref<1x1x4096xf32, #tpu.memory_space<hbm>>
    %dma_start3A_25 = tpu.memref_squeeze %dma_start3A_24 : memref<1x1x4096xf32, #tpu.memory_space<hbm>> -> memref<4096xf32, #tpu.memory_space<hbm>>
    %dma_start3A_26 = arith.constant 0 : i32
    %dma_start3A_27 = tpu.memref_slice %arg5[%dma_start3A_20, %dma_start3A_26] : memref<8x4096xf32, #tpu.memory_space<vmem>> -> memref<1x4096xf32, #tpu.memory_space<vmem>>
    %dma_start3A_28 = tpu.memref_squeeze %dma_start3A_27 : memref<1x4096xf32, #tpu.memory_space<vmem>> -> memref<4096xf32, #tpu.memory_space<vmem>>
    %dma_start3A_29 = tpu.memref_slice %arg2[%add3A_3, %dma_start3A, %mul3A_19] : memref<4x14x65536xf32, #tpu.memory_space<hbm>> -> memref<1x1x4096xf32, #tpu.memory_space<hbm>>
    %dma_start3A_30 = tpu.memref_squeeze %dma_start3A_29 : memref<1x1x4096xf32, #tpu.memory_space<hbm>> -> memref<4096xf32, #tpu.memory_space<hbm>>
    tpu.enqueue_dma source(%dma_start3A_30 : memref<4096xf32, #tpu.memory_space<hbm>>) target(%dma_start3A_28 : memref<4096xf32, #tpu.memory_space<vmem>>) target_semaphore(%arg10 : memref<!tpu.dma_semaphore, #tpu.memory_space<semaphore_mem>>)
    %mul3A_31 = arith.constant 4096 : i32
    %mul3A_32 = arith.muli %arg1, %mul3A_31 : i32
    %dma_start3A_33 = arith.constant 1 : i32
    %dma_start3A_34 = arith.constant 1 : i32
    %dma_start3A_35 = arith.constant 0 : i32
    %dma_start3A_36 = tpu.memref_slice %arg5[%dma_start3A_34, %dma_start3A_35] : memref<8x4096xf32, #tpu.memory_space<vmem>> -> memref<1x4096xf32, #tpu.memory_space<vmem>>
    %dma_start3A_37 = tpu.memref_squeeze %dma_start3A_36 : memref<1x4096xf32, #tpu.memory_space<vmem>> -> memref<4096xf32, #tpu.memory_space<vmem>>
    %dma_start3A_38 = tpu.memref_slice %arg2[%add3A_3, %dma_start3A_33, %mul3A_32] : memref<4x14x65536xf32, #tpu.memory_space<hbm>> -> memref<1x1x4096xf32, #tpu.memory_space<hbm>>
    %dma_start3A_39 = tpu.memref_squeeze %dma_start3A_38 : memref<1x1x4096xf32, #tpu.memory_space<hbm>> -> memref<4096xf32, #tpu.memory_space<hbm>>
    %dma_start3A_40 = arith.constant 0 : i32
    %dma_start3A_41 = tpu.memref_slice %arg5[%dma_start3A_34, %dma_start3A_40] : memref<8x4096xf32, #tpu.memory_space<vmem>> -> memref<1x4096xf32, #tpu.memory_space<vmem>>
    %dma_start3A_42 = tpu.memref_squeeze %dma_start3A_41 : memref<1x4096xf32, #tpu.memory_space<vmem>> -> memref<4096xf32, #tpu.memory_space<vmem>>
    %dma_start3A_43 = tpu.memref_slice %arg2[%add3A_3, %dma_start3A_33, %mul3A_32] : memref<4x14x65536xf32, #tpu.memory_space<hbm>> -> memref<1x1x4096xf32, #tpu.memory_space<hbm>>
    %dma_start3A_44 = tpu.memref_squeeze %dma_start3A_43 : memref<1x1x4096xf32, #tpu.memory_space<hbm>> -> memref<4096xf32, #tpu.memory_space<hbm>>
    tpu.enqueue_dma source(%dma_start3A_44 : memref<4096xf32, #tpu.memory_space<hbm>>) target(%dma_start3A_42 : memref<4096xf32, #tpu.memory_space<vmem>>) target_semaphore(%arg10 : memref<!tpu.dma_semaphore, #tpu.memory_space<semaphore_mem>>)
    %mul3A_45 = arith.constant 4096 : i32
    %mul3A_46 = arith.muli %arg1, %mul3A_45 : i32
    %dma_start3A_47 = arith.constant 10 : i32
    %dma_start3A_48 = arith.constant 2 : i32
    %dma_start3A_49 = arith.constant 0 : i32
    %dma_start3A_50 = tpu.memref_slice %arg5[%dma_start3A_48, %dma_start3A_49] : memref<8x4096xf32, #tpu.memory_space<vmem>> -> memref<1x4096xf32, #tpu.memory_space<vmem>>
    %dma_start3A_51 = tpu.memref_squeeze %dma_start3A_50 : memref<1x4096xf32, #tpu.memory_space<vmem>> -> memref<4096xf32, #tpu.memory_space<vmem>>
    %dma_start3A_52 = tpu.memref_slice %arg2[%add3A_3, %dma_start3A_47, %mul3A_46] : memref<4x14x65536xf32, #tpu.memory_space<hbm>> -> memref<1x1x4096xf32, #tpu.memory_space<hbm>>
    %dma_start3A_53 = tpu.memref_squeeze %dma_start3A_52 : memref<1x1x4096xf32, #tpu.memory_space<hbm>> -> memref<4096xf32, #tpu.memory_space<hbm>>
    %dma_start3A_54 = arith.constant 0 : i32
    %dma_start3A_55 = tpu.memref_slice %arg5[%dma_start3A_48, %dma_start3A_54] : memref<8x4096xf32, #tpu.memory_space<vmem>> -> memref<1x4096xf32, #tpu.memory_space<vmem>>
    %dma_start3A_56 = tpu.memref_squeeze %dma_start3A_55 : memref<1x4096xf32, #tpu.memory_space<vmem>> -> memref<4096xf32, #tpu.memory_space<vmem>>
    %dma_start3A_57 = tpu.memref_slice %arg2[%add3A_3, %dma_start3A_47, %mul3A_46] : memref<4x14x65536xf32, #tpu.memory_space<hbm>> -> memref<1x1x4096xf32, #tpu.memory_space<hbm>>
    %dma_start3A_58 = tpu.memref_squeeze %dma_start3A_57 : memref<1x1x4096xf32, #tpu.memory_space<hbm>> -> memref<4096xf32, #tpu.memory_space<hbm>>
    tpu.enqueue_dma source(%dma_start3A_58 : memref<4096xf32, #tpu.memory_space<hbm>>) target(%dma_start3A_56 : memref<4096xf32, #tpu.memory_space<vmem>>) target_semaphore(%arg10 : memref<!tpu.dma_semaphore, #tpu.memory_space<semaphore_mem>>)
    %mul3A_59 = arith.constant 4096 : i32
    %mul3A_60 = arith.muli %arg1, %mul3A_59 : i32
    %dma_start3A_61 = arith.constant 11 : i32
    %dma_start3A_62 = arith.constant 3 : i32
    %dma_start3A_63 = arith.constant 0 : i32
    %dma_start3A_64 = tpu.memref_slice %arg5[%dma_start3A_62, %dma_start3A_63] : memref<8x4096xf32, #tpu.memory_space<vmem>> -> memref<1x4096xf32, #tpu.memory_space<vmem>>
    %dma_start3A_65 = tpu.memref_squeeze %dma_start3A_64 : memref<1x4096xf32, #tpu.memory_space<vmem>> -> memref<4096xf32, #tpu.memory_space<vmem>>
    %dma_start3A_66 = tpu.memref_slice %arg2[%add3A_3, %dma_start3A_61, %mul3A_60] : memref<4x14x65536xf32, #tpu.memory_space<hbm>> -> memref<1x1x4096xf32, #tpu.memory_space<hbm>>
    %dma_start3A_67 = tpu.memref_squeeze %dma_start3A_66 : memref<1x1x4096xf32, #tpu.memory_space<hbm>> -> memref<4096xf32, #tpu.memory_space<hbm>>
    %dma_start3A_68 = arith.constant 0 : i32
    %dma_start3A_69 = tpu.memref_slice %arg5[%dma_start3A_62, %dma_start3A_68] : memref<8x4096xf32, #tpu.memory_space<vmem>> -> memref<1x4096xf32, #tpu.memory_space<vmem>>
    %dma_start3A_70 = tpu.memref_squeeze %dma_start3A_69 : memref<1x4096xf32, #tpu.memory_space<vmem>> -> memref<4096xf32, #tpu.memory_space<vmem>>
    %dma_start3A_71 = tpu.memref_slice %arg2[%add3A_3, %dma_start3A_61, %mul3A_60] : memref<4x14x65536xf32, #tpu.memory_space<hbm>> -> memref<1x1x4096xf32, #tpu.memory_space<hbm>>
    %dma_start3A_72 = tpu.memref_squeeze %dma_start3A_71 : memref<1x1x4096xf32, #tpu.memory_space<hbm>> -> memref<4096xf32, #tpu.memory_space<hbm>>
    tpu.enqueue_dma source(%dma_start3A_72 : memref<4096xf32, #tpu.memory_space<hbm>>) target(%dma_start3A_70 : memref<4096xf32, #tpu.memory_space<vmem>>) target_semaphore(%arg10 : memref<!tpu.dma_semaphore, #tpu.memory_space<semaphore_mem>>)
    %mul3A_73 = arith.constant 4096 : i32
    %mul3A_74 = arith.muli %arg1, %mul3A_73 : i32
    %dma_start3A_75 = arith.constant 12 : i32
    %dma_start3A_76 = arith.constant 4 : i32
    %dma_start3A_77 = arith.constant 0 : i32
    %dma_start3A_78 = tpu.memref_slice %arg5[%dma_start3A_76, %dma_start3A_77] : memref<8x4096xf32, #tpu.memory_space<vmem>> -> memref<1x4096xf32, #tpu.memory_space<vmem>>
    %dma_start3A_79 = tpu.memref_squeeze %dma_start3A_78 : memref<1x4096xf32, #tpu.memory_space<vmem>> -> memref<4096xf32, #tpu.memory_space<vmem>>
    %dma_start3A_80 = tpu.memref_slice %arg2[%add3A_3, %dma_start3A_75, %mul3A_74] : memref<4x14x65536xf32, #tpu.memory_space<hbm>> -> memref<1x1x4096xf32, #tpu.memory_space<hbm>>
    %dma_start3A_81 = tpu.memref_squeeze %dma_start3A_80 : memref<1x1x4096xf32, #tpu.memory_space<hbm>> -> memref<4096xf32, #tpu.memory_space<hbm>>
    %dma_start3A_82 = arith.constant 0 : i32
    %dma_start3A_83 = tpu.memref_slice %arg5[%dma_start3A_76, %dma_start3A_82] : memref<8x4096xf32, #tpu.memory_space<vmem>> -> memref<1x4096xf32, #tpu.memory_space<vmem>>
    %dma_start3A_84 = tpu.memref_squeeze %dma_start3A_83 : memref<1x4096xf32, #tpu.memory_space<vmem>> -> memref<4096xf32, #tpu.memory_space<vmem>>
    %dma_start3A_85 = tpu.memref_slice %arg2[%add3A_3, %dma_start3A_75, %mul3A_74] : memref<4x14x65536xf32, #tpu.memory_space<hbm>> -> memref<1x1x4096xf32, #tpu.memory_space<hbm>>
    %dma_start3A_86 = tpu.memref_squeeze %dma_start3A_85 : memref<1x1x4096xf32, #tpu.memory_space<hbm>> -> memref<4096xf32, #tpu.memory_space<hbm>>
    tpu.enqueue_dma source(%dma_start3A_86 : memref<4096xf32, #tpu.memory_space<hbm>>) target(%dma_start3A_84 : memref<4096xf32, #tpu.memory_space<vmem>>) target_semaphore(%arg10 : memref<!tpu.dma_semaphore, #tpu.memory_space<semaphore_mem>>)
    %mul3A_87 = arith.constant 4096 : i32
    %mul3A_88 = arith.muli %arg1, %mul3A_87 : i32
    %dma_start3A_89 = arith.constant 13 : i32
    %dma_start3A_90 = arith.constant 5 : i32
    %dma_start3A_91 = arith.constant 0 : i32
    %dma_start3A_92 = tpu.memref_slice %arg5[%dma_start3A_90, %dma_start3A_91] : memref<8x4096xf32, #tpu.memory_space<vmem>> -> memref<1x4096xf32, #tpu.memory_space<vmem>>
    %dma_start3A_93 = tpu.memref_squeeze %dma_start3A_92 : memref<1x4096xf32, #tpu.memory_space<vmem>> -> memref<4096xf32, #tpu.memory_space<vmem>>
    %dma_start3A_94 = tpu.memref_slice %arg2[%add3A_3, %dma_start3A_89, %mul3A_88] : memref<4x14x65536xf32, #tpu.memory_space<hbm>> -> memref<1x1x4096xf32, #tpu.memory_space<hbm>>
    %dma_start3A_95 = tpu.memref_squeeze %dma_start3A_94 : memref<1x1x4096xf32, #tpu.memory_space<hbm>> -> memref<4096xf32, #tpu.memory_space<hbm>>
    %dma_start3A_96 = arith.constant 0 : i32
    %dma_start3A_97 = tpu.memref_slice %arg5[%dma_start3A_90, %dma_start3A_96] : memref<8x4096xf32, #tpu.memory_space<vmem>> -> memref<1x4096xf32, #tpu.memory_space<vmem>>
    %dma_start3A_98 = tpu.memref_squeeze %dma_start3A_97 : memref<1x4096xf32, #tpu.memory_space<vmem>> -> memref<4096xf32, #tpu.memory_space<vmem>>
    %dma_start3A_99 = tpu.memref_slice %arg2[%add3A_3, %dma_start3A_89, %mul3A_88] : memref<4x14x65536xf32, #tpu.memory_space<hbm>> -> memref<1x1x4096xf32, #tpu.memory_space<hbm>>
    %dma_start3A_100 = tpu.memref_squeeze %dma_start3A_99 : memref<1x1x4096xf32, #tpu.memory_space<hbm>> -> memref<4096xf32, #tpu.memory_space<hbm>>
    tpu.enqueue_dma source(%dma_start3A_100 : memref<4096xf32, #tpu.memory_space<hbm>>) target(%dma_start3A_98 : memref<4096xf32, #tpu.memory_space<vmem>>) target_semaphore(%arg10 : memref<!tpu.dma_semaphore, #tpu.memory_space<semaphore_mem>>)
    %mul3A_101 = arith.constant 4096 : i32
    %mul3A_102 = arith.muli %arg1, %mul3A_101 : i32
    %dma_start3A_103 = arith.constant 0 : i32
    %dma_start3A_104 = arith.constant 6 : i32
    %dma_start3A_105 = arith.constant 0 : i32
    %dma_start3A_106 = tpu.memref_slice %arg5[%dma_start3A_104, %dma_start3A_105] : memref<8x4096xf32, #tpu.memory_space<vmem>> -> memref<1x4096xf32, #tpu.memory_space<vmem>>
    %dma_start3A_107 = tpu.memref_squeeze %dma_start3A_106 : memref<1x4096xf32, #tpu.memory_space<vmem>> -> memref<4096xf32, #tpu.memory_space<vmem>>
    %dma_start3A_108 = tpu.memref_slice %arg3[%add3A_3, %dma_start3A_103, %mul3A_102] : memref<4x3x65536xf32, #tpu.memory_space<hbm>> -> memref<1x1x4096xf32, #tpu.memory_space<hbm>>
    %dma_start3A_109 = tpu.memref_squeeze %dma_start3A_108 : memref<1x1x4096xf32, #tpu.memory_space<hbm>> -> memref<4096xf32, #tpu.memory_space<hbm>>
    %dma_start3A_110 = arith.constant 0 : i32
    %dma_start3A_111 = tpu.memref_slice %arg5[%dma_start3A_104, %dma_start3A_110] : memref<8x4096xf32, #tpu.memory_space<vmem>> -> memref<1x4096xf32, #tpu.memory_space<vmem>>
    %dma_start3A_112 = tpu.memref_squeeze %dma_start3A_111 : memref<1x4096xf32, #tpu.memory_space<vmem>> -> memref<4096xf32, #tpu.memory_space<vmem>>
    %dma_start3A_113 = tpu.memref_slice %arg3[%add3A_3, %dma_start3A_103, %mul3A_102] : memref<4x3x65536xf32, #tpu.memory_space<hbm>> -> memref<1x1x4096xf32, #tpu.memory_space<hbm>>
    %dma_start3A_114 = tpu.memref_squeeze %dma_start3A_113 : memref<1x1x4096xf32, #tpu.memory_space<hbm>> -> memref<4096xf32, #tpu.memory_space<hbm>>
    tpu.enqueue_dma source(%dma_start3A_114 : memref<4096xf32, #tpu.memory_space<hbm>>) target(%dma_start3A_112 : memref<4096xf32, #tpu.memory_space<vmem>>) target_semaphore(%arg10 : memref<!tpu.dma_semaphore, #tpu.memory_space<semaphore_mem>>)
    %mul3A_115 = arith.constant 4096 : i32
    %mul3A_116 = arith.muli %arg1, %mul3A_115 : i32
    %dma_start3A_117 = arith.constant 1 : i32
    %dma_start3A_118 = arith.constant 7 : i32
    %dma_start3A_119 = arith.constant 0 : i32
    %dma_start3A_120 = tpu.memref_slice %arg5[%dma_start3A_118, %dma_start3A_119] : memref<8x4096xf32, #tpu.memory_space<vmem>> -> memref<1x4096xf32, #tpu.memory_space<vmem>>
    %dma_start3A_121 = tpu.memref_squeeze %dma_start3A_120 : memref<1x4096xf32, #tpu.memory_space<vmem>> -> memref<4096xf32, #tpu.memory_space<vmem>>
    %dma_start3A_122 = tpu.memref_slice %arg3[%add3A_3, %dma_start3A_117, %mul3A_116] : memref<4x3x65536xf32, #tpu.memory_space<hbm>> -> memref<1x1x4096xf32, #tpu.memory_space<hbm>>
    %dma_start3A_123 = tpu.memref_squeeze %dma_start3A_122 : memref<1x1x4096xf32, #tpu.memory_space<hbm>> -> memref<4096xf32, #tpu.memory_space<hbm>>
    %dma_start3A_124 = arith.constant 0 : i32
    %dma_start3A_125 = tpu.memref_slice %arg5[%dma_start3A_118, %dma_start3A_124] : memref<8x4096xf32, #tpu.memory_space<vmem>> -> memref<1x4096xf32, #tpu.memory_space<vmem>>
    %dma_start3A_126 = tpu.memref_squeeze %dma_start3A_125 : memref<1x4096xf32, #tpu.memory_space<vmem>> -> memref<4096xf32, #tpu.memory_space<vmem>>
    %dma_start3A_127 = tpu.memref_slice %arg3[%add3A_3, %dma_start3A_117, %mul3A_116] : memref<4x3x65536xf32, #tpu.memory_space<hbm>> -> memref<1x1x4096xf32, #tpu.memory_space<hbm>>
    %dma_start3A_128 = tpu.memref_squeeze %dma_start3A_127 : memref<1x1x4096xf32, #tpu.memory_space<hbm>> -> memref<4096xf32, #tpu.memory_space<hbm>>
    tpu.enqueue_dma source(%dma_start3A_128 : memref<4096xf32, #tpu.memory_space<hbm>>) target(%dma_start3A_126 : memref<4096xf32, #tpu.memory_space<vmem>>) target_semaphore(%arg10 : memref<!tpu.dma_semaphore, #tpu.memory_space<semaphore_mem>>)
    %dma_wait3A = arith.constant 0 : i32
    %dma_wait3A_129 = arith.constant 0 : i32
    %dma_wait3A_130 = arith.constant 0 : i32
    %dma_wait3A_131 = tpu.memref_slice %arg5[%dma_wait3A_129, %dma_wait3A_130] : memref<8x4096xf32, #tpu.memory_space<vmem>> -> memref<1x4096xf32, #tpu.memory_space<vmem>>
    %dma_wait3A_132 = tpu.memref_squeeze %dma_wait3A_131 : memref<1x4096xf32, #tpu.memory_space<vmem>> -> memref<4096xf32, #tpu.memory_space<vmem>>
    %dma_wait3A_133 = tpu.memref_slice %arg2[%add3A_3, %dma_wait3A, %mul3A_19] : memref<4x14x65536xf32, #tpu.memory_space<hbm>> -> memref<1x1x4096xf32, #tpu.memory_space<hbm>>
    %dma_wait3A_134 = tpu.memref_squeeze %dma_wait3A_133 : memref<1x1x4096xf32, #tpu.memory_space<hbm>> -> memref<4096xf32, #tpu.memory_space<hbm>>
    %dma_wait3A_135 = arith.constant 0 : i32
    %dma_wait3A_136 = tpu.memref_slice %arg5[%dma_wait3A_129, %dma_wait3A_135] : memref<8x4096xf32, #tpu.memory_space<vmem>> -> memref<1x4096xf32, #tpu.memory_space<vmem>>
    %dma_wait3A_137 = tpu.memref_squeeze %dma_wait3A_136 : memref<1x4096xf32, #tpu.memory_space<vmem>> -> memref<4096xf32, #tpu.memory_space<vmem>>
    %dma_wait3A_138 = tpu.memref_slice %arg2[%add3A_3, %dma_wait3A, %mul3A_19] : memref<4x14x65536xf32, #tpu.memory_space<hbm>> -> memref<1x1x4096xf32, #tpu.memory_space<hbm>>
    %dma_wait3A_139 = tpu.memref_squeeze %dma_wait3A_138 : memref<1x1x4096xf32, #tpu.memory_space<hbm>> -> memref<4096xf32, #tpu.memory_space<hbm>>
    tpu.wait_dma2 semaphore(%arg10 : memref<!tpu.dma_semaphore, #tpu.memory_space<semaphore_mem>>) src(%dma_wait3A_139 : memref<4096xf32, #tpu.memory_space<hbm>>) dst(%dma_wait3A_137 : memref<4096xf32, #tpu.memory_space<vmem>>)
    %dma_wait3A_140 = arith.constant 1 : i32
    %dma_wait3A_141 = arith.constant 1 : i32
    %dma_wait3A_142 = arith.constant 0 : i32
    %dma_wait3A_143 = tpu.memref_slice %arg5[%dma_wait3A_141, %dma_wait3A_142] : memref<8x4096xf32, #tpu.memory_space<vmem>> -> memref<1x4096xf32, #tpu.memory_space<vmem>>
    %dma_wait3A_144 = tpu.memref_squeeze %dma_wait3A_143 : memref<1x4096xf32, #tpu.memory_space<vmem>> -> memref<4096xf32, #tpu.memory_space<vmem>>
    %dma_wait3A_145 = tpu.memref_slice %arg2[%add3A_3, %dma_wait3A_140, %mul3A_32] : memref<4x14x65536xf32, #tpu.memory_space<hbm>> -> memref<1x1x4096xf32, #tpu.memory_space<hbm>>
    %dma_wait3A_146 = tpu.memref_squeeze %dma_wait3A_145 : memref<1x1x4096xf32, #tpu.memory_space<hbm>> -> memref<4096xf32, #tpu.memory_space<hbm>>
    %dma_wait3A_147 = arith.constant 0 : i32
    %dma_wait3A_148 = tpu.memref_slice %arg5[%dma_wait3A_141, %dma_wait3A_147] : memref<8x4096xf32, #tpu.memory_space<vmem>> -> memref<1x4096xf32, #tpu.memory_space<vmem>>
    %dma_wait3A_149 = tpu.memref_squeeze %dma_wait3A_148 : memref<1x4096xf32, #tpu.memory_space<vmem>> -> memref<4096xf32, #tpu.memory_space<vmem>>
    %dma_wait3A_150 = tpu.memref_slice %arg2[%add3A_3, %dma_wait3A_140, %mul3A_32] : memref<4x14x65536xf32, #tpu.memory_space<hbm>> -> memref<1x1x4096xf32, #tpu.memory_space<hbm>>
    %dma_wait3A_151 = tpu.memref_squeeze %dma_wait3A_150 : memref<1x1x4096xf32, #tpu.memory_space<hbm>> -> memref<4096xf32, #tpu.memory_space<hbm>>
    tpu.wait_dma2 semaphore(%arg10 : memref<!tpu.dma_semaphore, #tpu.memory_space<semaphore_mem>>) src(%dma_wait3A_151 : memref<4096xf32, #tpu.memory_space<hbm>>) dst(%dma_wait3A_149 : memref<4096xf32, #tpu.memory_space<vmem>>)
    %dma_wait3A_152 = arith.constant 10 : i32
    %dma_wait3A_153 = arith.constant 2 : i32
    %dma_wait3A_154 = arith.constant 0 : i32
    %dma_wait3A_155 = tpu.memref_slice %arg5[%dma_wait3A_153, %dma_wait3A_154] : memref<8x4096xf32, #tpu.memory_space<vmem>> -> memref<1x4096xf32, #tpu.memory_space<vmem>>
    %dma_wait3A_156 = tpu.memref_squeeze %dma_wait3A_155 : memref<1x4096xf32, #tpu.memory_space<vmem>> -> memref<4096xf32, #tpu.memory_space<vmem>>
    %dma_wait3A_157 = tpu.memref_slice %arg2[%add3A_3, %dma_wait3A_152, %mul3A_46] : memref<4x14x65536xf32, #tpu.memory_space<hbm>> -> memref<1x1x4096xf32, #tpu.memory_space<hbm>>
    %dma_wait3A_158 = tpu.memref_squeeze %dma_wait3A_157 : memref<1x1x4096xf32, #tpu.memory_space<hbm>> -> memref<4096xf32, #tpu.memory_space<hbm>>
    %dma_wait3A_159 = arith.constant 0 : i32
    %dma_wait3A_160 = tpu.memref_slice %arg5[%dma_wait3A_153, %dma_wait3A_159] : memref<8x4096xf32, #tpu.memory_space<vmem>> -> memref<1x4096xf32, #tpu.memory_space<vmem>>
    %dma_wait3A_161 = tpu.memref_squeeze %dma_wait3A_160 : memref<1x4096xf32, #tpu.memory_space<vmem>> -> memref<4096xf32, #tpu.memory_space<vmem>>
    %dma_wait3A_162 = tpu.memref_slice %arg2[%add3A_3, %dma_wait3A_152, %mul3A_46] : memref<4x14x65536xf32, #tpu.memory_space<hbm>> -> memref<1x1x4096xf32, #tpu.memory_space<hbm>>
    %dma_wait3A_163 = tpu.memref_squeeze %dma_wait3A_162 : memref<1x1x4096xf32, #tpu.memory_space<hbm>> -> memref<4096xf32, #tpu.memory_space<hbm>>
    tpu.wait_dma2 semaphore(%arg10 : memref<!tpu.dma_semaphore, #tpu.memory_space<semaphore_mem>>) src(%dma_wait3A_163 : memref<4096xf32, #tpu.memory_space<hbm>>) dst(%dma_wait3A_161 : memref<4096xf32, #tpu.memory_space<vmem>>)
    %dma_wait3A_164 = arith.constant 11 : i32
    %dma_wait3A_165 = arith.constant 3 : i32
    %dma_wait3A_166 = arith.constant 0 : i32
    %dma_wait3A_167 = tpu.memref_slice %arg5[%dma_wait3A_165, %dma_wait3A_166] : memref<8x4096xf32, #tpu.memory_space<vmem>> -> memref<1x4096xf32, #tpu.memory_space<vmem>>
    %dma_wait3A_168 = tpu.memref_squeeze %dma_wait3A_167 : memref<1x4096xf32, #tpu.memory_space<vmem>> -> memref<4096xf32, #tpu.memory_space<vmem>>
    %dma_wait3A_169 = tpu.memref_slice %arg2[%add3A_3, %dma_wait3A_164, %mul3A_60] : memref<4x14x65536xf32, #tpu.memory_space<hbm>> -> memref<1x1x4096xf32, #tpu.memory_space<hbm>>
    %dma_wait3A_170 = tpu.memref_squeeze %dma_wait3A_169 : memref<1x1x4096xf32, #tpu.memory_space<hbm>> -> memref<4096xf32, #tpu.memory_space<hbm>>
    %dma_wait3A_171 = arith.constant 0 : i32
    %dma_wait3A_172 = tpu.memref_slice %arg5[%dma_wait3A_165, %dma_wait3A_171] : memref<8x4096xf32, #tpu.memory_space<vmem>> -> memref<1x4096xf32, #tpu.memory_space<vmem>>
    %dma_wait3A_173 = tpu.memref_squeeze %dma_wait3A_172 : memref<1x4096xf32, #tpu.memory_space<vmem>> -> memref<4096xf32, #tpu.memory_space<vmem>>
    %dma_wait3A_174 = tpu.memref_slice %arg2[%add3A_3, %dma_wait3A_164, %mul3A_60] : memref<4x14x65536xf32, #tpu.memory_space<hbm>> -> memref<1x1x4096xf32, #tpu.memory_space<hbm>>
    %dma_wait3A_175 = tpu.memref_squeeze %dma_wait3A_174 : memref<1x1x4096xf32, #tpu.memory_space<hbm>> -> memref<4096xf32, #tpu.memory_space<hbm>>
    tpu.wait_dma2 semaphore(%arg10 : memref<!tpu.dma_semaphore, #tpu.memory_space<semaphore_mem>>) src(%dma_wait3A_175 : memref<4096xf32, #tpu.memory_space<hbm>>) dst(%dma_wait3A_173 : memref<4096xf32, #tpu.memory_space<vmem>>)
    %dma_wait3A_176 = arith.constant 12 : i32
    %dma_wait3A_177 = arith.constant 4 : i32
    %dma_wait3A_178 = arith.constant 0 : i32
    %dma_wait3A_179 = tpu.memref_slice %arg5[%dma_wait3A_177, %dma_wait3A_178] : memref<8x4096xf32, #tpu.memory_space<vmem>> -> memref<1x4096xf32, #tpu.memory_space<vmem>>
    %dma_wait3A_180 = tpu.memref_squeeze %dma_wait3A_179 : memref<1x4096xf32, #tpu.memory_space<vmem>> -> memref<4096xf32, #tpu.memory_space<vmem>>
    %dma_wait3A_181 = tpu.memref_slice %arg2[%add3A_3, %dma_wait3A_176, %mul3A_74] : memref<4x14x65536xf32, #tpu.memory_space<hbm>> -> memref<1x1x4096xf32, #tpu.memory_space<hbm>>
    %dma_wait3A_182 = tpu.memref_squeeze %dma_wait3A_181 : memref<1x1x4096xf32, #tpu.memory_space<hbm>> -> memref<4096xf32, #tpu.memory_space<hbm>>
    %dma_wait3A_183 = arith.constant 0 : i32
    %dma_wait3A_184 = tpu.memref_slice %arg5[%dma_wait3A_177, %dma_wait3A_183] : memref<8x4096xf32, #tpu.memory_space<vmem>> -> memref<1x4096xf32, #tpu.memory_space<vmem>>
    %dma_wait3A_185 = tpu.memref_squeeze %dma_wait3A_184 : memref<1x4096xf32, #tpu.memory_space<vmem>> -> memref<4096xf32, #tpu.memory_space<vmem>>
    %dma_wait3A_186 = tpu.memref_slice %arg2[%add3A_3, %dma_wait3A_176, %mul3A_74] : memref<4x14x65536xf32, #tpu.memory_space<hbm>> -> memref<1x1x4096xf32, #tpu.memory_space<hbm>>
    %dma_wait3A_187 = tpu.memref_squeeze %dma_wait3A_186 : memref<1x1x4096xf32, #tpu.memory_space<hbm>> -> memref<4096xf32, #tpu.memory_space<hbm>>
    tpu.wait_dma2 semaphore(%arg10 : memref<!tpu.dma_semaphore, #tpu.memory_space<semaphore_mem>>) src(%dma_wait3A_187 : memref<4096xf32, #tpu.memory_space<hbm>>) dst(%dma_wait3A_185 : memref<4096xf32, #tpu.memory_space<vmem>>)
    %dma_wait3A_188 = arith.constant 13 : i32
    %dma_wait3A_189 = arith.constant 5 : i32
    %dma_wait3A_190 = arith.constant 0 : i32
    %dma_wait3A_191 = tpu.memref_slice %arg5[%dma_wait3A_189, %dma_wait3A_190] : memref<8x4096xf32, #tpu.memory_space<vmem>> -> memref<1x4096xf32, #tpu.memory_space<vmem>>
    %dma_wait3A_192 = tpu.memref_squeeze %dma_wait3A_191 : memref<1x4096xf32, #tpu.memory_space<vmem>> -> memref<4096xf32, #tpu.memory_space<vmem>>
    %dma_wait3A_193 = tpu.memref_slice %arg2[%add3A_3, %dma_wait3A_188, %mul3A_88] : memref<4x14x65536xf32, #tpu.memory_space<hbm>> -> memref<1x1x4096xf32, #tpu.memory_space<hbm>>
    %dma_wait3A_194 = tpu.memref_squeeze %dma_wait3A_193 : memref<1x1x4096xf32, #tpu.memory_space<hbm>> -> memref<4096xf32, #tpu.memory_space<hbm>>
    %dma_wait3A_195 = arith.constant 0 : i32
    %dma_wait3A_196 = tpu.memref_slice %arg5[%dma_wait3A_189, %dma_wait3A_195] : memref<8x4096xf32, #tpu.memory_space<vmem>> -> memref<1x4096xf32, #tpu.memory_space<vmem>>
    %dma_wait3A_197 = tpu.memref_squeeze %dma_wait3A_196 : memref<1x4096xf32, #tpu.memory_space<vmem>> -> memref<4096xf32, #tpu.memory_space<vmem>>
    %dma_wait3A_198 = tpu.memref_slice %arg2[%add3A_3, %dma_wait3A_188, %mul3A_88] : memref<4x14x65536xf32, #tpu.memory_space<hbm>> -> memref<1x1x4096xf32, #tpu.memory_space<hbm>>
    %dma_wait3A_199 = tpu.memref_squeeze %dma_wait3A_198 : memref<1x1x4096xf32, #tpu.memory_space<hbm>> -> memref<4096xf32, #tpu.memory_space<hbm>>
    tpu.wait_dma2 semaphore(%arg10 : memref<!tpu.dma_semaphore, #tpu.memory_space<semaphore_mem>>) src(%dma_wait3A_199 : memref<4096xf32, #tpu.memory_space<hbm>>) dst(%dma_wait3A_197 : memref<4096xf32, #tpu.memory_space<vmem>>)
    %dma_wait3A_200 = arith.constant 0 : i32
    %dma_wait3A_201 = arith.constant 6 : i32
    %dma_wait3A_202 = arith.constant 0 : i32
    %dma_wait3A_203 = tpu.memref_slice %arg5[%dma_wait3A_201, %dma_wait3A_202] : memref<8x4096xf32, #tpu.memory_space<vmem>> -> memref<1x4096xf32, #tpu.memory_space<vmem>>
    %dma_wait3A_204 = tpu.memref_squeeze %dma_wait3A_203 : memref<1x4096xf32, #tpu.memory_space<vmem>> -> memref<4096xf32, #tpu.memory_space<vmem>>
    %dma_wait3A_205 = tpu.memref_slice %arg3[%add3A_3, %dma_wait3A_200, %mul3A_102] : memref<4x3x65536xf32, #tpu.memory_space<hbm>> -> memref<1x1x4096xf32, #tpu.memory_space<hbm>>
    %dma_wait3A_206 = tpu.memref_squeeze %dma_wait3A_205 : memref<1x1x4096xf32, #tpu.memory_space<hbm>> -> memref<4096xf32, #tpu.memory_space<hbm>>
    %dma_wait3A_207 = arith.constant 0 : i32
    %dma_wait3A_208 = tpu.memref_slice %arg5[%dma_wait3A_201, %dma_wait3A_207] : memref<8x4096xf32, #tpu.memory_space<vmem>> -> memref<1x4096xf32, #tpu.memory_space<vmem>>
    %dma_wait3A_209 = tpu.memref_squeeze %dma_wait3A_208 : memref<1x4096xf32, #tpu.memory_space<vmem>> -> memref<4096xf32, #tpu.memory_space<vmem>>
    %dma_wait3A_210 = tpu.memref_slice %arg3[%add3A_3, %dma_wait3A_200, %mul3A_102] : memref<4x3x65536xf32, #tpu.memory_space<hbm>> -> memref<1x1x4096xf32, #tpu.memory_space<hbm>>
    %dma_wait3A_211 = tpu.memref_squeeze %dma_wait3A_210 : memref<1x1x4096xf32, #tpu.memory_space<hbm>> -> memref<4096xf32, #tpu.memory_space<hbm>>
    tpu.wait_dma2 semaphore(%arg10 : memref<!tpu.dma_semaphore, #tpu.memory_space<semaphore_mem>>) src(%dma_wait3A_211 : memref<4096xf32, #tpu.memory_space<hbm>>) dst(%dma_wait3A_209 : memref<4096xf32, #tpu.memory_space<vmem>>)
    %dma_wait3A_212 = arith.constant 1 : i32
    %dma_wait3A_213 = arith.constant 7 : i32
    %dma_wait3A_214 = arith.constant 0 : i32
    %dma_wait3A_215 = tpu.memref_slice %arg5[%dma_wait3A_213, %dma_wait3A_214] : memref<8x4096xf32, #tpu.memory_space<vmem>> -> memref<1x4096xf32, #tpu.memory_space<vmem>>
    %dma_wait3A_216 = tpu.memref_squeeze %dma_wait3A_215 : memref<1x4096xf32, #tpu.memory_space<vmem>> -> memref<4096xf32, #tpu.memory_space<vmem>>
    %dma_wait3A_217 = tpu.memref_slice %arg3[%add3A_3, %dma_wait3A_212, %mul3A_116] : memref<4x3x65536xf32, #tpu.memory_space<hbm>> -> memref<1x1x4096xf32, #tpu.memory_space<hbm>>
    %dma_wait3A_218 = tpu.memref_squeeze %dma_wait3A_217 : memref<1x1x4096xf32, #tpu.memory_space<hbm>> -> memref<4096xf32, #tpu.memory_space<hbm>>
    %dma_wait3A_219 = arith.constant 0 : i32
    %dma_wait3A_220 = tpu.memref_slice %arg5[%dma_wait3A_213, %dma_wait3A_219] : memref<8x4096xf32, #tpu.memory_space<vmem>> -> memref<1x4096xf32, #tpu.memory_space<vmem>>
    %dma_wait3A_221 = tpu.memref_squeeze %dma_wait3A_220 : memref<1x4096xf32, #tpu.memory_space<vmem>> -> memref<4096xf32, #tpu.memory_space<vmem>>
    %dma_wait3A_222 = tpu.memref_slice %arg3[%add3A_3, %dma_wait3A_212, %mul3A_116] : memref<4x3x65536xf32, #tpu.memory_space<hbm>> -> memref<1x1x4096xf32, #tpu.memory_space<hbm>>
    %dma_wait3A_223 = tpu.memref_squeeze %dma_wait3A_222 : memref<1x1x4096xf32, #tpu.memory_space<hbm>> -> memref<4096xf32, #tpu.memory_space<hbm>>
    tpu.wait_dma2 semaphore(%arg10 : memref<!tpu.dma_semaphore, #tpu.memory_space<semaphore_mem>>) src(%dma_wait3A_223 : memref<4096xf32, #tpu.memory_space<hbm>>) dst(%dma_wait3A_221 : memref<4096xf32, #tpu.memory_space<vmem>>)
    %scan3A_224 = arith.constant 0 : i32
    %scan3A_225 = arith.constant 0 : i32
    %scan3A_226 = arith.constant 256 : i32
    %scan3A_227 = arith.addi %scan3A_225, %scan3A_226 : i32
    %scan3A_228 = arith.constant 1 : i32
    scf.for %scan3A_555 = %scan3A_225 to %scan3A_227 step %scan3A_228  : i32 {
      %mul3A_556 = arith.constant 16 : i32
      %mul3A_557 = arith.muli %scan3A_555, %mul3A_556 : i32
      %get3A = arith.constant 6 : i32
      %get3A_558 = arith.index_cast %get3A : i32 to index
      %get3A_559 = arith.index_cast %mul3A_557 : i32 to index
      %get3A_560 = tpu.vector_load %arg5[%get3A_558, %get3A_559] {strides = array<i32>} : memref<8x4096xf32, #tpu.memory_space<vmem>>, vector<1x16xf32>,
      %get3A_561 = vector.shape_cast %get3A_560 : vector<1x16xf32> to vector<16xf32>
      %get3A_562 = arith.constant 0 : i32
      %get3A_563 = arith.index_cast %get3A_562 : i32 to index
      %get3A_564 = arith.index_cast %mul3A_557 : i32 to index
      %get3A_565 = tpu.vector_load %arg5[%get3A_563, %get3A_564] {strides = array<i32>} : memref<8x4096xf32, #tpu.memory_space<vmem>>, vector<1x16xf32>,
      %get3A_566 = vector.shape_cast %get3A_565 : vector<1x16xf32> to vector<16xf32>
      %add3A_567 = arith.addf %get3A_561, %get3A_566 : vector<16xf32>
      %add3A_568 = arith.constant 1.000000e+00 : f32
      %add3A_569 = vector.broadcast %add3A_568 : f32 to vector<16xf32>
      %add3A_570 = arith.addf %add3A_567, %add3A_569 : vector<16xf32>
      %mul3A_571 = arith.constant 2.560000e+02 : f32
      %mul3A_572 = vector.broadcast %mul3A_571 : f32 to vector<16xf32>
      %mul3A_573 = arith.mulf %add3A_570, %mul3A_572 : vector<16xf32>
      %get3A_574 = arith.constant 7 : i32
      %get3A_575 = arith.index_cast %get3A_574 : i32 to index
      %get3A_576 = arith.index_cast %mul3A_557 : i32 to index
      %get3A_577 = tpu.vector_load %arg5[%get3A_575, %get3A_576] {strides = array<i32>} : memref<8x4096xf32, #tpu.memory_space<vmem>>, vector<1x16xf32>,
      %get3A_578 = vector.shape_cast %get3A_577 : vector<1x16xf32> to vector<16xf32>
      %get3A_579 = arith.constant 1 : i32
      %get3A_580 = arith.index_cast %get3A_579 : i32 to index
      %get3A_581 = arith.index_cast %mul3A_557 : i32 to index
      %get3A_582 = tpu.vector_load %arg5[%get3A_580, %get3A_581] {strides = array<i32>} : memref<8x4096xf32, #tpu.memory_space<vmem>>, vector<1x16xf32>,
      %get3A_583 = vector.shape_cast %get3A_582 : vector<1x16xf32> to vector<16xf32>
      %add3A_584 = arith.addf %get3A_578, %get3A_583 : vector<16xf32>
      %add3A_585 = arith.constant 1.000000e+00 : f32
      %add3A_586 = vector.broadcast %add3A_585 : f32 to vector<16xf32>
      %add3A_587 = arith.addf %add3A_584, %add3A_586 : vector<16xf32>
      %mul3A_588 = arith.constant 2.560000e+02 : f32
      %mul3A_589 = vector.broadcast %mul3A_588 : f32 to vector<16xf32>
      %mul3A_590 = arith.mulf %add3A_587, %mul3A_589 : vector<16xf32>
      %jit3A = arith.constant 0.000000e+00 : f32
      %jit3A_591 = arith.constant 5.110000e+02 : f32
      %max3A = vector.broadcast %jit3A : f32 to vector<16xf32>
      %max3A_592 = arith.maximumf %max3A, %mul3A_573 : vector<16xf32>
      %min3A = vector.broadcast %jit3A_591 : f32 to vector<16xf32>
      %min3A_593 = arith.minimumf %min3A, %max3A_592 : vector<16xf32>
      %convert_element_type3A = arith.fptosi %min3A_593 : vector<16xf32> to vector<16xi32>
      %jit3A_594 = arith.constant 0.000000e+00 : f32
      %jit3A_595 = arith.constant 5.110000e+02 : f32
      %max3A_596 = vector.broadcast %jit3A_594 : f32 to vector<16xf32>
      %max3A_597 = arith.maximumf %max3A_596, %mul3A_590 : vector<16xf32>
      %min3A_598 = vector.broadcast %jit3A_595 : f32 to vector<16xf32>
      %min3A_599 = arith.minimumf %min3A_598, %max3A_597 : vector<16xf32>
      %convert_element_type3A_600 = arith.fptosi %min3A_599 : vector<16xf32> to vector<16xi32>
      %mul3A_601 = arith.constant 512 : i32
      %mul3A_602 = vector.broadcast %mul3A_601 : i32 to vector<16xi32>
      %mul3A_603 = arith.muli %convert_element_type3A_600, %mul3A_602 : vector<16xi32>
      %add3A_604 = arith.addi %mul3A_603, %convert_element_type3A : vector<16xi32>
      %get3A_605 = arith.constant 2 : i32
      %get3A_606 = arith.index_cast %get3A_605 : i32 to index
      %get3A_607 = arith.index_cast %mul3A_557 : i32 to index
      %get3A_608 = tpu.vector_load %arg5[%get3A_606, %get3A_607] {strides = array<i32>} : memref<8x4096xf32, #tpu.memory_space<vmem>>, vector<1x16xf32>,
      %get3A_609 = vector.shape_cast %get3A_608 : vector<1x16xf32> to vector<16xf32>
      %neg3A = arith.constant 0.000000e+00 : f32
      %neg3A_610 = vector.broadcast %neg3A : f32 to vector<16xf32>
      %neg3A_611 = arith.subf %neg3A_610, %get3A_609 : vector<16xf32>
      %exp3A = math.exp %neg3A_611 : vector<16xf32>
      %add3A_612 = arith.constant 1.000000e+00 : f32
      %add3A_613 = vector.broadcast %add3A_612 : f32 to vector<16xf32>
      %add3A_614 = arith.addf %add3A_613, %exp3A : vector<16xf32>
      %div3A = arith.constant 1.000000e+00 : f32
      %div3A_615 = vector.broadcast %div3A : f32 to vector<16xf32>
      %div3A_616 = arith.divf %div3A_615, %add3A_614 : vector<16xf32>
      %swap3A = arith.index_cast %mul3A_557 : i32 to index
      %swap3A_617 = tpu.vector_load %arg6[%swap3A] {strides = array<i32>} : memref<12288xi32, #tpu.memory_space<vmem>>, vector<16xi32>,
      %swap3A_618 = vector.shape_cast %swap3A_617 : vector<16xi32> to vector<16xi32>
      %swap3A_619 = vector.shape_cast %add3A_604 : vector<16xi32> to vector<16xi32>
      tpu.vector_store %arg6[%swap3A], %swap3A_619 {strides = array<i32>} : memref<12288xi32, #tpu.memory_space<vmem>>, vector<16xi32>,
      %add3A_620 = arith.constant 262144 : i32
      %add3A_621 = vector.broadcast %add3A_620 : i32 to vector<16xi32>
      %add3A_622 = arith.addi %add3A_604, %add3A_621 : vector<16xi32>
      %mul3A_623 = arith.constant 16 : i32
      %mul3A_624 = arith.muli %scan3A_555, %mul3A_623 : i32
      %add3A_625 = arith.constant 4096 : i32
      %add3A_626 = arith.addi %add3A_625, %mul3A_624 : i32
      %swap3A_627 = arith.index_cast %add3A_626 : i32 to index
      %swap3A_628 = tpu.vector_load %arg6[%swap3A_627] {strides = array<i32>} : memref<12288xi32, #tpu.memory_space<vmem>>, vector<16xi32>,
      %swap3A_629 = vector.shape_cast %swap3A_628 : vector<16xi32> to vector<16xi32>
      %swap3A_630 = vector.shape_cast %add3A_622 : vector<16xi32> to vector<16xi32>
      tpu.vector_store %arg6[%swap3A_627], %swap3A_630 {strides = array<i32>} : memref<12288xi32, #tpu.memory_space<vmem>>, vector<16xi32>,
      %add3A_631 = arith.constant 524288 : i32
      %add3A_632 = vector.broadcast %add3A_631 : i32 to vector<16xi32>
      %add3A_633 = arith.addi %add3A_604, %add3A_632 : vector<16xi32>
      %mul3A_634 = arith.constant 16 : i32
      %mul3A_635 = arith.muli %scan3A_555, %mul3A_634 : i32
      %add3A_636 = arith.constant 8192 : i32
      %add3A_637 = arith.addi %add3A_636, %mul3A_635 : i32
      %swap3A_638 = arith.index_cast %add3A_637 : i32 to index
      %swap3A_639 = tpu.vector_load %arg6[%swap3A_638] {strides = array<i32>} : memref<12288xi32, #tpu.memory_space<vmem>>, vector<16xi32>,
      %swap3A_640 = vector.shape_cast %swap3A_639 : vector<16xi32> to vector<16xi32>
      %swap3A_641 = vector.shape_cast %add3A_633 : vector<16xi32> to vector<16xi32>
      tpu.vector_store %arg6[%swap3A_638], %swap3A_641 {strides = array<i32>} : memref<12288xi32, #tpu.memory_space<vmem>>, vector<16xi32>,
      %get3A_642 = arith.constant 3 : i32
      %get3A_643 = arith.index_cast %get3A_642 : i32 to index
      %get3A_644 = arith.index_cast %mul3A_557 : i32 to index
      %get3A_645 = tpu.vector_load %arg5[%get3A_643, %get3A_644] {strides = array<i32>} : memref<8x4096xf32, #tpu.memory_space<vmem>>, vector<1x16xf32>,
      %get3A_646 = vector.shape_cast %get3A_645 : vector<1x16xf32> to vector<16xf32>
      %mul3A_647 = arith.mulf %get3A_646, %div3A_616 : vector<16xf32>
      %swap3A_648 = arith.index_cast %mul3A_557 : i32 to index
      %swap3A_649 = tpu.vector_load %arg7[%swap3A_648] {strides = array<i32>} : memref<12288xf32, #tpu.memory_space<vmem>>, vector<16xf32>,
      %swap3A_650 = vector.shape_cast %swap3A_649 : vector<16xf32> to vector<16xf32>
      %swap3A_651 = vector.shape_cast %mul3A_647 : vector<16xf32> to vector<16xf32>
      tpu.vector_store %arg7[%swap3A_648], %swap3A_651 {strides = array<i32>} : memref<12288xf32, #tpu.memory_space<vmem>>, vector<16xf32>,
      %get3A_652 = arith.constant 4 : i32
      %get3A_653 = arith.index_cast %get3A_652 : i32 to index
      %get3A_654 = arith.index_cast %mul3A_557 : i32 to index
      %get3A_655 = tpu.vector_load %arg5[%get3A_653, %get3A_654] {strides = array<i32>} : memref<8x4096xf32, #tpu.memory_space<vmem>>, vector<1x16xf32>,
      %get3A_656 = vector.shape_cast %get3A_655 : vector<1x16xf32> to vector<16xf32>
      %mul3A_657 = arith.mulf %get3A_656, %div3A_616 : vector<16xf32>
      %mul3A_658 = arith.constant 16 : i32
      %mul3A_659 = arith.muli %scan3A_555, %mul3A_658 : i32
      %add3A_660 = arith.constant 4096 : i32
      %add3A_661 = arith.addi %add3A_660, %mul3A_659 : i32
      %swap3A_662 = arith.index_cast %add3A_661 : i32 to index
      %swap3A_663 = tpu.vector_load %arg7[%swap3A_662] {strides = array<i32>} : memref<12288xf32, #tpu.memory_space<vmem>>, vector<16xf32>,
      %swap3A_664 = vector.shape_cast %swap3A_663 : vector<16xf32> to vector<16xf32>
      %swap3A_665 = vector.shape_cast %mul3A_657 : vector<16xf32> to vector<16xf32>
      tpu.vector_store %arg7[%swap3A_662], %swap3A_665 {strides = array<i32>} : memref<12288xf32, #tpu.memory_space<vmem>>, vector<16xf32>,
      %get3A_666 = arith.constant 5 : i32
      %get3A_667 = arith.index_cast %get3A_666 : i32 to index
      %get3A_668 = arith.index_cast %mul3A_557 : i32 to index
      %get3A_669 = tpu.vector_load %arg5[%get3A_667, %get3A_668] {strides = array<i32>} : memref<8x4096xf32, #tpu.memory_space<vmem>>, vector<1x16xf32>,
      %get3A_670 = vector.shape_cast %get3A_669 : vector<1x16xf32> to vector<16xf32>
      %mul3A_671 = arith.mulf %get3A_670, %div3A_616 : vector<16xf32>
      %mul3A_672 = arith.constant 16 : i32
      %mul3A_673 = arith.muli %scan3A_555, %mul3A_672 : i32
      %add3A_674 = arith.constant 8192 : i32
      %add3A_675 = arith.addi %add3A_674, %mul3A_673 : i32
      %swap3A_676 = arith.index_cast %add3A_675 : i32 to index
      %swap3A_677 = tpu.vector_load %arg7[%swap3A_676] {strides = array<i32>} : memref<12288xf32, #tpu.memory_space<vmem>>, vector<16xf32>,
      %swap3A_678 = vector.shape_cast %swap3A_677 : vector<16xf32> to vector<16xf32>
      %swap3A_679 = vector.shape_cast %mul3A_671 : vector<16xf32> to vector<16xf32>
      tpu.vector_store %arg7[%swap3A_676], %swap3A_679 {strides = array<i32>} : memref<12288xf32, #tpu.memory_space<vmem>>, vector<16xf32>,
    }
    %scan3A_229 = arith.constant 256 : i32
    "tpu.region"() ({
      %run_scoped3A = tpu.sem_alloc : memref<!tpu.dma_semaphore, #tpu.memory_space<semaphore_mem>>
      %dma_start3A_555 = arith.constant 0 : i32
      %dma_start3A_556 = tpu.memref_slice %arg9[%dma_start3A_555] : memref<786432xf32, #tpu.memory_space<vmem_shared>> -> memref<786432xf32, #tpu.memory_space<vmem_shared>>
      tpu.enqueue_indirect_dma source(%arg7 : memref<12288xf32, #tpu.memory_space<vmem>>) target(%dma_start3A_556 : memref<786432xf32, #tpu.memory_space<vmem_shared>>) offsets(%arg6 : memref<12288xi32, #tpu.memory_space<vmem>>) semaphore(%run_scoped3A : memref<!tpu.dma_semaphore, #tpu.memory_space<semaphore_mem>>) {add = true}
      %dma_wait3A_557 = arith.constant 0 : i32
      %dma_wait3A_558 = tpu.memref_slice %arg9[%dma_wait3A_557] : memref<786432xf32, #tpu.memory_space<vmem_shared>> -> memref<786432xf32, #tpu.memory_space<vmem_shared>>
      tpu.wait_indirect_dma semaphore(%run_scoped3A : memref<!tpu.dma_semaphore, #tpu.memory_space<semaphore_mem>>) src(%arg7 : memref<12288xf32, #tpu.memory_space<vmem>>) dst(%dma_wait3A_558 : memref<786432xf32, #tpu.memory_space<vmem_shared>>)
      tpu.yield
    }) : () -> ()
    %barrier3A_230 = arith.constant 0 : index
    tpu.barrier barrier_id(%barrier3A_230)
    %mul3A_231 = arith.constant 786432 : i32
    %mul3A_232 = arith.muli %add3A_3, %mul3A_231 : i32
    %add3A_233 = arith.addi %mul3A_232, %mul3A_0 : i32
    %add3A_234 = arith.constant 0 : i32
    %add3A_235 = arith.addi %mul3A_0, %add3A_234 : i32
    "tpu.region"() ({
      %run_scoped3A = tpu.sem_alloc : memref<!tpu.dma_semaphore, #tpu.memory_space<semaphore_mem>>
      %dma_start3A_555 = tpu.memref_slice %arg9[%add3A_235] : memref<786432xf32, #tpu.memory_space<vmem_shared>> -> memref<12288xf32, #tpu.memory_space<vmem_shared>>
      %dma_start3A_556 = tpu.memref_slice %arg9[%add3A_235] : memref<786432xf32, #tpu.memory_space<vmem_shared>> -> memref<12288xf32, #tpu.memory_space<vmem_shared>>
      tpu.enqueue_dma source(%dma_start3A_556 : memref<12288xf32, #tpu.memory_space<vmem_shared>>) target(%arg8 : memref<12288xf32, #tpu.memory_space<vmem>>) target_semaphore(%run_scoped3A : memref<!tpu.dma_semaphore, #tpu.memory_space<semaphore_mem>>)
      %dma_wait3A_557 = tpu.memref_slice %arg9[%add3A_235] : memref<786432xf32, #tpu.memory_space<vmem_shared>> -> memref<12288xf32, #tpu.memory_space<vmem_shared>>
      %dma_wait3A_558 = tpu.memref_slice %arg9[%add3A_235] : memref<786432xf32, #tpu.memory_space<vmem_shared>> -> memref<12288xf32, #tpu.memory_space<vmem_shared>>
      tpu.wait_dma2 semaphore(%run_scoped3A : memref<!tpu.dma_semaphore, #tpu.memory_space<semaphore_mem>>) src(%dma_wait3A_558 : memref<12288xf32, #tpu.memory_space<vmem_shared>>) dst(%arg8 : memref<12288xf32, #tpu.memory_space<vmem>>)
      tpu.yield
    }) : () -> ()
    %scan3A_236 = arith.constant 0 : i32
    %scan3A_237 = arith.constant 0 : i32
    %scan3A_238 = arith.constant 768 : i32
    %scan3A_239 = arith.addi %scan3A_237, %scan3A_238 : i32
    %scan3A_240 = arith.constant 1 : i32
    scf.for %scan3A_555 = %scan3A_237 to %scan3A_239 step %scan3A_240  : i32 {
      %mul3A_556 = arith.constant 16 : i32
      %mul3A_557 = arith.muli %scan3A_555, %mul3A_556 : i32
      %get3A = arith.index_cast %mul3A_557 : i32 to index
      %get3A_558 = tpu.vector_load %arg8[%get3A] {strides = array<i32>} : memref<12288xf32, #tpu.memory_space<vmem>>, vector<16xf32>,
      %get3A_559 = vector.shape_cast %get3A_558 : vector<16xf32> to vector<16xf32>
      %jit3A = arith.constant 0.000000e+00 : f32
      %jit3A_560 = arith.constant 1.000000e+00 : f32
      %max3A = vector.broadcast %jit3A : f32 to vector<16xf32>
      %max3A_561 = arith.maximumf %max3A, %get3A_559 : vector<16xf32>
      %min3A = vector.broadcast %jit3A_560 : f32 to vector<16xf32>
      %min3A_562 = arith.minimumf %min3A, %max3A_561 : vector<16xf32>
      %swap3A = arith.index_cast %mul3A_557 : i32 to index
      %swap3A_563 = tpu.vector_load %arg8[%swap3A] {strides = array<i32>} : memref<12288xf32, #tpu.memory_space<vmem>>, vector<16xf32>,
      %swap3A_564 = vector.shape_cast %swap3A_563 : vector<16xf32> to vector<16xf32>
      %swap3A_565 = vector.shape_cast %min3A_562 : vector<16xf32> to vector<16xf32>
      tpu.vector_store %arg8[%swap3A], %swap3A_565 {strides = array<i32>} : memref<12288xf32, #tpu.memory_space<vmem>>, vector<16xf32>,
    }
    %scan3A_241 = arith.constant 768 : i32
    %add3A_242 = arith.constant 0 : i32
    %add3A_243 = arith.addi %add3A_233, %add3A_242 : i32
    "tpu.region"() ({
      %run_scoped3A = tpu.sem_alloc : memref<!tpu.dma_semaphore, #tpu.memory_space<semaphore_mem>>
      %dma_start3A_555 = tpu.memref_slice %arg4[%add3A_243] : memref<3145728xf32, #tpu.memory_space<hbm>> -> memref<12288xf32, #tpu.memory_space<hbm>>
      %dma_start3A_556 = tpu.memref_slice %arg4[%add3A_243] : memref<3145728xf32, #tpu.memory_space<hbm>> -> memref<12288xf32, #tpu.memory_space<hbm>>
      tpu.enqueue_dma source(%arg8 : memref<12288xf32, #tpu.memory_space<vmem>>) target(%dma_start3A_556 : memref<12288xf32, #tpu.memory_space<hbm>>) target_semaphore(%run_scoped3A : memref<!tpu.dma_semaphore, #tpu.memory_space<semaphore_mem>>)
      %dma_wait3A_557 = tpu.memref_slice %arg4[%add3A_243] : memref<3145728xf32, #tpu.memory_space<hbm>> -> memref<12288xf32, #tpu.memory_space<hbm>>
      %dma_wait3A_558 = tpu.memref_slice %arg4[%add3A_243] : memref<3145728xf32, #tpu.memory_space<hbm>> -> memref<12288xf32, #tpu.memory_space<hbm>>
      tpu.wait_dma2 semaphore(%run_scoped3A : memref<!tpu.dma_semaphore, #tpu.memory_space<semaphore_mem>>) src(%arg8 : memref<12288xf32, #tpu.memory_space<vmem>>) dst(%dma_wait3A_558 : memref<12288xf32, #tpu.memory_space<hbm>>)
      tpu.yield
    }) : () -> ()
    %add3A_244 = arith.constant 12288 : i32
    %add3A_245 = arith.addi %mul3A_0, %add3A_244 : i32
    "tpu.region"() ({
      %run_scoped3A = tpu.sem_alloc : memref<!tpu.dma_semaphore, #tpu.memory_space<semaphore_mem>>
      %dma_start3A_555 = tpu.memref_slice %arg9[%add3A_245] : memref<786432xf32, #tpu.memory_space<vmem_shared>> -> memref<12288xf32, #tpu.memory_space<vmem_shared>>
      %dma_start3A_556 = tpu.memref_slice %arg9[%add3A_245] : memref<786432xf32, #tpu.memory_space<vmem_shared>> -> memref<12288xf32, #tpu.memory_space<vmem_shared>>
      tpu.enqueue_dma source(%dma_start3A_556 : memref<12288xf32, #tpu.memory_space<vmem_shared>>) target(%arg8 : memref<12288xf32, #tpu.memory_space<vmem>>) target_semaphore(%run_scoped3A : memref<!tpu.dma_semaphore, #tpu.memory_space<semaphore_mem>>)
      %dma_wait3A_557 = tpu.memref_slice %arg9[%add3A_245] : memref<786432xf32, #tpu.memory_space<vmem_shared>> -> memref<12288xf32, #tpu.memory_space<vmem_shared>>
      %dma_wait3A_558 = tpu.memref_slice %arg9[%add3A_245] : memref<786432xf32, #tpu.memory_space<vmem_shared>> -> memref<12288xf32, #tpu.memory_space<vmem_shared>>
      tpu.wait_dma2 semaphore(%run_scoped3A : memref<!tpu.dma_semaphore, #tpu.memory_space<semaphore_mem>>) src(%dma_wait3A_558 : memref<12288xf32, #tpu.memory_space<vmem_shared>>) dst(%arg8 : memref<12288xf32, #tpu.memory_space<vmem>>)
      tpu.yield
    }) : () -> ()
    %scan3A_246 = arith.constant 0 : i32
    %scan3A_247 = arith.constant 0 : i32
    %scan3A_248 = arith.constant 768 : i32
    %scan3A_249 = arith.addi %scan3A_247, %scan3A_248 : i32
    %scan3A_250 = arith.constant 1 : i32
    scf.for %scan3A_555 = %scan3A_247 to %scan3A_249 step %scan3A_250  : i32 {
      %mul3A_556 = arith.constant 16 : i32
      %mul3A_557 = arith.muli %scan3A_555, %mul3A_556 : i32
      %get3A = arith.index_cast %mul3A_557 : i32 to index
      %get3A_558 = tpu.vector_load %arg8[%get3A] {strides = array<i32>} : memref<12288xf32, #tpu.memory_space<vmem>>, vector<16xf32>,
      %get3A_559 = vector.shape_cast %get3A_558 : vector<16xf32> to vector<16xf32>
      %jit3A = arith.constant 0.000000e+00 : f32
      %jit3A_560 = arith.constant 1.000000e+00 : f32
      %max3A = vector.broadcast %jit3A : f32 to vector<16xf32>
      %max3A_561 = arith.maximumf %max3A, %get3A_559 : vector<16xf32>
      %min3A = vector.broadcast %jit3A_560 : f32 to vector<16xf32>
      %min3A_562 = arith.minimumf %min3A, %max3A_561 : vector<16xf32>
      %swap3A = arith.index_cast %mul3A_557 : i32 to index
      %swap3A_563 = tpu.vector_load %arg8[%swap3A] {strides = array<i32>} : memref<12288xf32, #tpu.memory_space<vmem>>, vector<16xf32>,
      %swap3A_564 = vector.shape_cast %swap3A_563 : vector<16xf32> to vector<16xf32>
      %swap3A_565 = vector.shape_cast %min3A_562 : vector<16xf32> to vector<16xf32>
      tpu.vector_store %arg8[%swap3A], %swap3A_565 {strides = array<i32>} : memref<12288xf32, #tpu.memory_space<vmem>>, vector<16xf32>,
    }
    %scan3A_251 = arith.constant 768 : i32
    %add3A_252 = arith.constant 12288 : i32
    %add3A_253 = arith.addi %add3A_233, %add3A_252 : i32
    "tpu.region"() ({
      %run_scoped3A = tpu.sem_alloc : memref<!tpu.dma_semaphore, #tpu.memory_space<semaphore_mem>>
      %dma_start3A_555 = tpu.memref_slice %arg4[%add3A_253] : memref<3145728xf32, #tpu.memory_space<hbm>> -> memref<12288xf32, #tpu.memory_space<hbm>>
      %dma_start3A_556 = tpu.memref_slice %arg4[%add3A_253] : memref<3145728xf32, #tpu.memory_space<hbm>> -> memref<12288xf32, #tpu.memory_space<hbm>>
      tpu.enqueue_dma source(%arg8 : memref<12288xf32, #tpu.memory_space<vmem>>) target(%dma_start3A_556 : memref<12288xf32, #tpu.memory_space<hbm>>) target_semaphore(%run_scoped3A : memref<!tpu.dma_semaphore, #tpu.memory_space<semaphore_mem>>)
      %dma_wait3A_557 = tpu.memref_slice %arg4[%add3A_253] : memref<3145728xf32, #tpu.memory_space<hbm>> -> memref<12288xf32, #tpu.memory_space<hbm>>
      %dma_wait3A_558 = tpu.memref_slice %arg4[%add3A_253] : memref<3145728xf32, #tpu.memory_space<hbm>> -> memref<12288xf32, #tpu.memory_space<hbm>>
      tpu.wait_dma2 semaphore(%run_scoped3A : memref<!tpu.dma_semaphore, #tpu.memory_space<semaphore_mem>>) src(%arg8 : memref<12288xf32, #tpu.memory_space<vmem>>) dst(%dma_wait3A_558 : memref<12288xf32, #tpu.memory_space<hbm>>)
      tpu.yield
    }) : () -> ()
    %add3A_254 = arith.constant 24576 : i32
    %add3A_255 = arith.addi %mul3A_0, %add3A_254 : i32
    "tpu.region"() ({
      %run_scoped3A = tpu.sem_alloc : memref<!tpu.dma_semaphore, #tpu.memory_space<semaphore_mem>>
      %dma_start3A_555 = tpu.memref_slice %arg9[%add3A_255] : memref<786432xf32, #tpu.memory_space<vmem_shared>> -> memref<12288xf32, #tpu.memory_space<vmem_shared>>
      %dma_start3A_556 = tpu.memref_slice %arg9[%add3A_255] : memref<786432xf32, #tpu.memory_space<vmem_shared>> -> memref<12288xf32, #tpu.memory_space<vmem_shared>>
      tpu.enqueue_dma source(%dma_start3A_556 : memref<12288xf32, #tpu.memory_space<vmem_shared>>) target(%arg8 : memref<12288xf32, #tpu.memory_space<vmem>>) target_semaphore(%run_scoped3A : memref<!tpu.dma_semaphore, #tpu.memory_space<semaphore_mem>>)
      %dma_wait3A_557 = tpu.memref_slice %arg9[%add3A_255] : memref<786432xf32, #tpu.memory_space<vmem_shared>> -> memref<12288xf32, #tpu.memory_space<vmem_shared>>
      %dma_wait3A_558 = tpu.memref_slice %arg9[%add3A_255] : memref<786432xf32, #tpu.memory_space<vmem_shared>> -> memref<12288xf32, #tpu.memory_space<vmem_shared>>
      tpu.wait_dma2 semaphore(%run_scoped3A : memref<!tpu.dma_semaphore, #tpu.memory_space<semaphore_mem>>) src(%dma_wait3A_558 : memref<12288xf32, #tpu.memory_space<vmem_shared>>) dst(%arg8 : memref<12288xf32, #tpu.memory_space<vmem>>)
      tpu.yield
    }) : () -> ()
    %scan3A_256 = arith.constant 0 : i32
    %scan3A_257 = arith.constant 0 : i32
    %scan3A_258 = arith.constant 768 : i32
    %scan3A_259 = arith.addi %scan3A_257, %scan3A_258 : i32
    %scan3A_260 = arith.constant 1 : i32
    scf.for %scan3A_555 = %scan3A_257 to %scan3A_259 step %scan3A_260  : i32 {
      %mul3A_556 = arith.constant 16 : i32
      %mul3A_557 = arith.muli %scan3A_555, %mul3A_556 : i32
      %get3A = arith.index_cast %mul3A_557 : i32 to index
      %get3A_558 = tpu.vector_load %arg8[%get3A] {strides = array<i32>} : memref<12288xf32, #tpu.memory_space<vmem>>, vector<16xf32>,
      %get3A_559 = vector.shape_cast %get3A_558 : vector<16xf32> to vector<16xf32>
      %jit3A = arith.constant 0.000000e+00 : f32
      %jit3A_560 = arith.constant 1.000000e+00 : f32
      %max3A = vector.broadcast %jit3A : f32 to vector<16xf32>
      %max3A_561 = arith.maximumf %max3A, %get3A_559 : vector<16xf32>
      %min3A = vector.broadcast %jit3A_560 : f32 to vector<16xf32>
      %min3A_562 = arith.minimumf %min3A, %max3A_561 : vector<16xf32>
      %swap3A = arith.index_cast %mul3A_557 : i32 to index
      %swap3A_563 = tpu.vector_load %arg8[%swap3A] {strides = array<i32>} : memref<12288xf32, #tpu.memory_space<vmem>>, vector<16xf32>,
      %swap3A_564 = vector.shape_cast %swap3A_563 : vector<16xf32> to vector<16xf32>
      %swap3A_565 = vector.shape_cast %min3A_562 : vector<16xf32> to vector<16xf32>
      tpu.vector_store %arg8[%swap3A], %swap3A_565 {strides = array<i32>} : memref<12288xf32, #tpu.memory_space<vmem>>, vector<16xf32>,
    }
    %scan3A_261 = arith.constant 768 : i32
    %add3A_262 = arith.constant 24576 : i32
    %add3A_263 = arith.addi %add3A_233, %add3A_262 : i32
    "tpu.region"() ({
      %run_scoped3A = tpu.sem_alloc : memref<!tpu.dma_semaphore, #tpu.memory_space<semaphore_mem>>
      %dma_start3A_555 = tpu.memref_slice %arg4[%add3A_263] : memref<3145728xf32, #tpu.memory_space<hbm>> -> memref<12288xf32, #tpu.memory_space<hbm>>
      %dma_start3A_556 = tpu.memref_slice %arg4[%add3A_263] : memref<3145728xf32, #tpu.memory_space<hbm>> -> memref<12288xf32, #tpu.memory_space<hbm>>
      tpu.enqueue_dma source(%arg8 : memref<12288xf32, #tpu.memory_space<vmem>>) target(%dma_start3A_556 : memref<12288xf32, #tpu.memory_space<hbm>>) target_semaphore(%run_scoped3A : memref<!tpu.dma_semaphore, #tpu.memory_space<semaphore_mem>>)
      %dma_wait3A_557 = tpu.memref_slice %arg4[%add3A_263] : memref<3145728xf32, #tpu.memory_space<hbm>> -> memref<12288xf32, #tpu.memory_space<hbm>>
      %dma_wait3A_558 = tpu.memref_slice %arg4[%add3A_263] : memref<3145728xf32, #tpu.memory_space<hbm>> -> memref<12288xf32, #tpu.memory_space<hbm>>
      tpu.wait_dma2 semaphore(%run_scoped3A : memref<!tpu.dma_semaphore, #tpu.memory_space<semaphore_mem>>) src(%arg8 : memref<12288xf32, #tpu.memory_space<vmem>>) dst(%dma_wait3A_558 : memref<12288xf32, #tpu.memory_space<hbm>>)
      tpu.yield
    }) : () -> ()
    %add3A_264 = arith.constant 36864 : i32
    %add3A_265 = arith.addi %mul3A_0, %add3A_264 : i32
    "tpu.region"() ({
      %run_scoped3A = tpu.sem_alloc : memref<!tpu.dma_semaphore, #tpu.memory_space<semaphore_mem>>
      %dma_start3A_555 = tpu.memref_slice %arg9[%add3A_265] : memref<786432xf32, #tpu.memory_space<vmem_shared>> -> memref<12288xf32, #tpu.memory_space<vmem_shared>>
      %dma_start3A_556 = tpu.memref_slice %arg9[%add3A_265] : memref<786432xf32, #tpu.memory_space<vmem_shared>> -> memref<12288xf32, #tpu.memory_space<vmem_shared>>
      tpu.enqueue_dma source(%dma_start3A_556 : memref<12288xf32, #tpu.memory_space<vmem_shared>>) target(%arg8 : memref<12288xf32, #tpu.memory_space<vmem>>) target_semaphore(%run_scoped3A : memref<!tpu.dma_semaphore, #tpu.memory_space<semaphore_mem>>)
      %dma_wait3A_557 = tpu.memref_slice %arg9[%add3A_265] : memref<786432xf32, #tpu.memory_space<vmem_shared>> -> memref<12288xf32, #tpu.memory_space<vmem_shared>>
      %dma_wait3A_558 = tpu.memref_slice %arg9[%add3A_265] : memref<786432xf32, #tpu.memory_space<vmem_shared>> -> memref<12288xf32, #tpu.memory_space<vmem_shared>>
      tpu.wait_dma2 semaphore(%run_scoped3A : memref<!tpu.dma_semaphore, #tpu.memory_space<semaphore_mem>>) src(%dma_wait3A_558 : memref<12288xf32, #tpu.memory_space<vmem_shared>>) dst(%arg8 : memref<12288xf32, #tpu.memory_space<vmem>>)
      tpu.yield
    }) : () -> ()
    %scan3A_266 = arith.constant 0 : i32
    %scan3A_267 = arith.constant 0 : i32
    %scan3A_268 = arith.constant 768 : i32
    %scan3A_269 = arith.addi %scan3A_267, %scan3A_268 : i32
    %scan3A_270 = arith.constant 1 : i32
    scf.for %scan3A_555 = %scan3A_267 to %scan3A_269 step %scan3A_270  : i32 {
      %mul3A_556 = arith.constant 16 : i32
      %mul3A_557 = arith.muli %scan3A_555, %mul3A_556 : i32
      %get3A = arith.index_cast %mul3A_557 : i32 to index
      %get3A_558 = tpu.vector_load %arg8[%get3A] {strides = array<i32>} : memref<12288xf32, #tpu.memory_space<vmem>>, vector<16xf32>,
      %get3A_559 = vector.shape_cast %get3A_558 : vector<16xf32> to vector<16xf32>
      %jit3A = arith.constant 0.000000e+00 : f32
      %jit3A_560 = arith.constant 1.000000e+00 : f32
      %max3A = vector.broadcast %jit3A : f32 to vector<16xf32>
      %max3A_561 = arith.maximumf %max3A, %get3A_559 : vector<16xf32>
      %min3A = vector.broadcast %jit3A_560 : f32 to vector<16xf32>
      %min3A_562 = arith.minimumf %min3A, %max3A_561 : vector<16xf32>
      %swap3A = arith.index_cast %mul3A_557 : i32 to index
      %swap3A_563 = tpu.vector_load %arg8[%swap3A] {strides = array<i32>} : memref<12288xf32, #tpu.memory_space<vmem>>, vector<16xf32>,
      %swap3A_564 = vector.shape_cast %swap3A_563 : vector<16xf32> to vector<16xf32>
      %swap3A_565 = vector.shape_cast %min3A_562 : vector<16xf32> to vector<16xf32>
      tpu.vector_store %arg8[%swap3A], %swap3A_565 {strides = array<i32>} : memref<12288xf32, #tpu.memory_space<vmem>>, vector<16xf32>,
    }
    %scan3A_271 = arith.constant 768 : i32
    %add3A_272 = arith.constant 36864 : i32
    %add3A_273 = arith.addi %add3A_233, %add3A_272 : i32
    "tpu.region"() ({
      %run_scoped3A = tpu.sem_alloc : memref<!tpu.dma_semaphore, #tpu.memory_space<semaphore_mem>>
      %dma_start3A_555 = tpu.memref_slice %arg4[%add3A_273] : memref<3145728xf32, #tpu.memory_space<hbm>> -> memref<12288xf32, #tpu.memory_space<hbm>>
      %dma_start3A_556 = tpu.memref_slice %arg4[%add3A_273] : memref<3145728xf32, #tpu.memory_space<hbm>> -> memref<12288xf32, #tpu.memory_space<hbm>>
      tpu.enqueue_dma source(%arg8 : memref<12288xf32, #tpu.memory_space<vmem>>) target(%dma_start3A_556 : memref<12288xf32, #tpu.memory_space<hbm>>) target_semaphore(%run_scoped3A : memref<!tpu.dma_semaphore, #tpu.memory_space<semaphore_mem>>)
      %dma_wait3A_557 = tpu.memref_slice %arg4[%add3A_273] : memref<3145728xf32, #tpu.memory_space<hbm>> -> memref<12288xf32, #tpu.memory_space<hbm>>
      %dma_wait3A_558 = tpu.memref_slice %arg4[%add3A_273] : memref<3145728xf32, #tpu.memory_space<hbm>> -> memref<12288xf32, #tpu.memory_space<hbm>>
      tpu.wait_dma2 semaphore(%run_scoped3A : memref<!tpu.dma_semaphore, #tpu.memory_space<semaphore_mem>>) src(%arg8 : memref<12288xf32, #tpu.memory_space<vmem>>) dst(%dma_wait3A_558 : memref<12288xf32, #tpu.memory_space<hbm>>)
      tpu.yield
    }) : () -> ()
    %barrier3A_274 = arith.constant 0 : index
    tpu.barrier barrier_id(%barrier3A_274)
    %mul3A_275 = arith.constant 2 : i32
    %mul3A_276 = arith.muli %mul3A_275, %arg0 : i32
    %add3A_277 = arith.constant 1 : i32
    %add3A_278 = arith.addi %mul3A_276, %add3A_277 : i32
    %broadcast_in_dim3A_279 = arith.constant 0.000000e+00 : f32
    %broadcast_in_dim3A_280 = vector.broadcast %broadcast_in_dim3A_279 : f32 to vector<16xf32>
    %scan3A_281 = arith.constant 0 : i32
    %scan3A_282 = arith.constant 0 : i32
    %scan3A_283 = arith.constant 768 : i32
    %scan3A_284 = arith.addi %scan3A_282, %scan3A_283 : i32
    %scan3A_285 = arith.constant 1 : i32
    scf.for %scan3A_555 = %scan3A_282 to %scan3A_284 step %scan3A_285  : i32 {
      %mul3A_556 = arith.constant 16 : i32
      %mul3A_557 = arith.muli %scan3A_555, %mul3A_556 : i32
      %swap3A = arith.index_cast %mul3A_557 : i32 to index
      %swap3A_558 = tpu.vector_load %arg8[%swap3A] {strides = array<i32>} : memref<12288xf32, #tpu.memory_space<vmem>>, vector<16xf32>,
      %swap3A_559 = vector.shape_cast %swap3A_558 : vector<16xf32> to vector<16xf32>
      %swap3A_560 = vector.shape_cast %broadcast_in_dim3A_280 : vector<16xf32> to vector<16xf32>
      tpu.vector_store %arg8[%swap3A], %swap3A_560 {strides = array<i32>} : memref<12288xf32, #tpu.memory_space<vmem>>, vector<16xf32>,
    }
    %scan3A_286 = arith.constant 768 : i32
    %add3A_287 = arith.constant 0 : i32
    %add3A_288 = arith.addi %mul3A_0, %add3A_287 : i32
    "tpu.region"() ({
      %run_scoped3A = tpu.sem_alloc : memref<!tpu.dma_semaphore, #tpu.memory_space<semaphore_mem>>
      %dma_start3A_555 = tpu.memref_slice %arg9[%add3A_288] : memref<786432xf32, #tpu.memory_space<vmem_shared>> -> memref<12288xf32, #tpu.memory_space<vmem_shared>>
      %dma_start3A_556 = tpu.memref_slice %arg9[%add3A_288] : memref<786432xf32, #tpu.memory_space<vmem_shared>> -> memref<12288xf32, #tpu.memory_space<vmem_shared>>
      tpu.enqueue_dma source(%arg8 : memref<12288xf32, #tpu.memory_space<vmem>>) target(%dma_start3A_556 : memref<12288xf32, #tpu.memory_space<vmem_shared>>) target_semaphore(%run_scoped3A : memref<!tpu.dma_semaphore, #tpu.memory_space<semaphore_mem>>)
      %dma_wait3A_557 = tpu.memref_slice %arg9[%add3A_288] : memref<786432xf32, #tpu.memory_space<vmem_shared>> -> memref<12288xf32, #tpu.memory_space<vmem_shared>>
      %dma_wait3A_558 = tpu.memref_slice %arg9[%add3A_288] : memref<786432xf32, #tpu.memory_space<vmem_shared>> -> memref<12288xf32, #tpu.memory_space<vmem_shared>>
      tpu.wait_dma2 semaphore(%run_scoped3A : memref<!tpu.dma_semaphore, #tpu.memory_space<semaphore_mem>>) src(%arg8 : memref<12288xf32, #tpu.memory_space<vmem>>) dst(%dma_wait3A_558 : memref<12288xf32, #tpu.memory_space<vmem_shared>>)
      tpu.yield
    }) : () -> ()
    %add3A_289 = arith.constant 12288 : i32
    %add3A_290 = arith.addi %mul3A_0, %add3A_289 : i32
    "tpu.region"() ({
      %run_scoped3A = tpu.sem_alloc : memref<!tpu.dma_semaphore, #tpu.memory_space<semaphore_mem>>
      %dma_start3A_555 = tpu.memref_slice %arg9[%add3A_290] : memref<786432xf32, #tpu.memory_space<vmem_shared>> -> memref<12288xf32, #tpu.memory_space<vmem_shared>>
      %dma_start3A_556 = tpu.memref_slice %arg9[%add3A_290] : memref<786432xf32, #tpu.memory_space<vmem_shared>> -> memref<12288xf32, #tpu.memory_space<vmem_shared>>
      tpu.enqueue_dma source(%arg8 : memref<12288xf32, #tpu.memory_space<vmem>>) target(%dma_start3A_556 : memref<12288xf32, #tpu.memory_space<vmem_shared>>) target_semaphore(%run_scoped3A : memref<!tpu.dma_semaphore, #tpu.memory_space<semaphore_mem>>)
      %dma_wait3A_557 = tpu.memref_slice %arg9[%add3A_290] : memref<786432xf32, #tpu.memory_space<vmem_shared>> -> memref<12288xf32, #tpu.memory_space<vmem_shared>>
      %dma_wait3A_558 = tpu.memref_slice %arg9[%add3A_290] : memref<786432xf32, #tpu.memory_space<vmem_shared>> -> memref<12288xf32, #tpu.memory_space<vmem_shared>>
      tpu.wait_dma2 semaphore(%run_scoped3A : memref<!tpu.dma_semaphore, #tpu.memory_space<semaphore_mem>>) src(%arg8 : memref<12288xf32, #tpu.memory_space<vmem>>) dst(%dma_wait3A_558 : memref<12288xf32, #tpu.memory_space<vmem_shared>>)
      tpu.yield
    }) : () -> ()
    %add3A_291 = arith.constant 24576 : i32
    %add3A_292 = arith.addi %mul3A_0, %add3A_291 : i32
    "tpu.region"() ({
      %run_scoped3A = tpu.sem_alloc : memref<!tpu.dma_semaphore, #tpu.memory_space<semaphore_mem>>
      %dma_start3A_555 = tpu.memref_slice %arg9[%add3A_292] : memref<786432xf32, #tpu.memory_space<vmem_shared>> -> memref<12288xf32, #tpu.memory_space<vmem_shared>>
      %dma_start3A_556 = tpu.memref_slice %arg9[%add3A_292] : memref<786432xf32, #tpu.memory_space<vmem_shared>> -> memref<12288xf32, #tpu.memory_space<vmem_shared>>
      tpu.enqueue_dma source(%arg8 : memref<12288xf32, #tpu.memory_space<vmem>>) target(%dma_start3A_556 : memref<12288xf32, #tpu.memory_space<vmem_shared>>) target_semaphore(%run_scoped3A : memref<!tpu.dma_semaphore, #tpu.memory_space<semaphore_mem>>)
      %dma_wait3A_557 = tpu.memref_slice %arg9[%add3A_292] : memref<786432xf32, #tpu.memory_space<vmem_shared>> -> memref<12288xf32, #tpu.memory_space<vmem_shared>>
      %dma_wait3A_558 = tpu.memref_slice %arg9[%add3A_292] : memref<786432xf32, #tpu.memory_space<vmem_shared>> -> memref<12288xf32, #tpu.memory_space<vmem_shared>>
      tpu.wait_dma2 semaphore(%run_scoped3A : memref<!tpu.dma_semaphore, #tpu.memory_space<semaphore_mem>>) src(%arg8 : memref<12288xf32, #tpu.memory_space<vmem>>) dst(%dma_wait3A_558 : memref<12288xf32, #tpu.memory_space<vmem_shared>>)
      tpu.yield
    }) : () -> ()
    %add3A_293 = arith.constant 36864 : i32
    %add3A_294 = arith.addi %mul3A_0, %add3A_293 : i32
    "tpu.region"() ({
      %run_scoped3A = tpu.sem_alloc : memref<!tpu.dma_semaphore, #tpu.memory_space<semaphore_mem>>
      %dma_start3A_555 = tpu.memref_slice %arg9[%add3A_294] : memref<786432xf32, #tpu.memory_space<vmem_shared>> -> memref<12288xf32, #tpu.memory_space<vmem_shared>>
      %dma_start3A_556 = tpu.memref_slice %arg9[%add3A_294] : memref<786432xf32, #tpu.memory_space<vmem_shared>> -> memref<12288xf32, #tpu.memory_space<vmem_shared>>
      tpu.enqueue_dma source(%arg8 : memref<12288xf32, #tpu.memory_space<vmem>>) target(%dma_start3A_556 : memref<12288xf32, #tpu.memory_space<vmem_shared>>) target_semaphore(%run_scoped3A : memref<!tpu.dma_semaphore, #tpu.memory_space<semaphore_mem>>)
      %dma_wait3A_557 = tpu.memref_slice %arg9[%add3A_294] : memref<786432xf32, #tpu.memory_space<vmem_shared>> -> memref<12288xf32, #tpu.memory_space<vmem_shared>>
      %dma_wait3A_558 = tpu.memref_slice %arg9[%add3A_294] : memref<786432xf32, #tpu.memory_space<vmem_shared>> -> memref<12288xf32, #tpu.memory_space<vmem_shared>>
      tpu.wait_dma2 semaphore(%run_scoped3A : memref<!tpu.dma_semaphore, #tpu.memory_space<semaphore_mem>>) src(%arg8 : memref<12288xf32, #tpu.memory_space<vmem>>) dst(%dma_wait3A_558 : memref<12288xf32, #tpu.memory_space<vmem_shared>>)
      tpu.yield
    }) : () -> ()
    %barrier3A_295 = arith.constant 0 : index
    tpu.barrier barrier_id(%barrier3A_295)
    %mul3A_296 = arith.constant 4096 : i32
    %mul3A_297 = arith.muli %arg1, %mul3A_296 : i32
    %dma_start3A_298 = arith.constant 0 : i32
    %dma_start3A_299 = arith.constant 0 : i32
    %dma_start3A_300 = arith.constant 0 : i32
    %dma_start3A_301 = tpu.memref_slice %arg5[%dma_start3A_299, %dma_start3A_300] : memref<8x4096xf32, #tpu.memory_space<vmem>> -> memref<1x4096xf32, #tpu.memory_space<vmem>>
    %dma_start3A_302 = tpu.memref_squeeze %dma_start3A_301 : memref<1x4096xf32, #tpu.memory_space<vmem>> -> memref<4096xf32, #tpu.memory_space<vmem>>
    %dma_start3A_303 = tpu.memref_slice %arg2[%add3A_278, %dma_start3A_298, %mul3A_297] : memref<4x14x65536xf32, #tpu.memory_space<hbm>> -> memref<1x1x4096xf32, #tpu.memory_space<hbm>>
    %dma_start3A_304 = tpu.memref_squeeze %dma_start3A_303 : memref<1x1x4096xf32, #tpu.memory_space<hbm>> -> memref<4096xf32, #tpu.memory_space<hbm>>
    %dma_start3A_305 = arith.constant 0 : i32
    %dma_start3A_306 = tpu.memref_slice %arg5[%dma_start3A_299, %dma_start3A_305] : memref<8x4096xf32, #tpu.memory_space<vmem>> -> memref<1x4096xf32, #tpu.memory_space<vmem>>
    %dma_start3A_307 = tpu.memref_squeeze %dma_start3A_306 : memref<1x4096xf32, #tpu.memory_space<vmem>> -> memref<4096xf32, #tpu.memory_space<vmem>>
    %dma_start3A_308 = tpu.memref_slice %arg2[%add3A_278, %dma_start3A_298, %mul3A_297] : memref<4x14x65536xf32, #tpu.memory_space<hbm>> -> memref<1x1x4096xf32, #tpu.memory_space<hbm>>
    %dma_start3A_309 = tpu.memref_squeeze %dma_start3A_308 : memref<1x1x4096xf32, #tpu.memory_space<hbm>> -> memref<4096xf32, #tpu.memory_space<hbm>>
    tpu.enqueue_dma source(%dma_start3A_309 : memref<4096xf32, #tpu.memory_space<hbm>>) target(%dma_start3A_307 : memref<4096xf32, #tpu.memory_space<vmem>>) target_semaphore(%arg10 : memref<!tpu.dma_semaphore, #tpu.memory_space<semaphore_mem>>)
    %mul3A_310 = arith.constant 4096 : i32
    %mul3A_311 = arith.muli %arg1, %mul3A_310 : i32
    %dma_start3A_312 = arith.constant 1 : i32
    %dma_start3A_313 = arith.constant 1 : i32
    %dma_start3A_314 = arith.constant 0 : i32
    %dma_start3A_315 = tpu.memref_slice %arg5[%dma_start3A_313, %dma_start3A_314] : memref<8x4096xf32, #tpu.memory_space<vmem>> -> memref<1x4096xf32, #tpu.memory_space<vmem>>
    %dma_start3A_316 = tpu.memref_squeeze %dma_start3A_315 : memref<1x4096xf32, #tpu.memory_space<vmem>> -> memref<4096xf32, #tpu.memory_space<vmem>>
    %dma_start3A_317 = tpu.memref_slice %arg2[%add3A_278, %dma_start3A_312, %mul3A_311] : memref<4x14x65536xf32, #tpu.memory_space<hbm>> -> memref<1x1x4096xf32, #tpu.memory_space<hbm>>
    %dma_start3A_318 = tpu.memref_squeeze %dma_start3A_317 : memref<1x1x4096xf32, #tpu.memory_space<hbm>> -> memref<4096xf32, #tpu.memory_space<hbm>>
    %dma_start3A_319 = arith.constant 0 : i32
    %dma_start3A_320 = tpu.memref_slice %arg5[%dma_start3A_313, %dma_start3A_319] : memref<8x4096xf32, #tpu.memory_space<vmem>> -> memref<1x4096xf32, #tpu.memory_space<vmem>>
    %dma_start3A_321 = tpu.memref_squeeze %dma_start3A_320 : memref<1x4096xf32, #tpu.memory_space<vmem>> -> memref<4096xf32, #tpu.memory_space<vmem>>
    %dma_start3A_322 = tpu.memref_slice %arg2[%add3A_278, %dma_start3A_312, %mul3A_311] : memref<4x14x65536xf32, #tpu.memory_space<hbm>> -> memref<1x1x4096xf32, #tpu.memory_space<hbm>>
    %dma_start3A_323 = tpu.memref_squeeze %dma_start3A_322 : memref<1x1x4096xf32, #tpu.memory_space<hbm>> -> memref<4096xf32, #tpu.memory_space<hbm>>
    tpu.enqueue_dma source(%dma_start3A_323 : memref<4096xf32, #tpu.memory_space<hbm>>) target(%dma_start3A_321 : memref<4096xf32, #tpu.memory_space<vmem>>) target_semaphore(%arg10 : memref<!tpu.dma_semaphore, #tpu.memory_space<semaphore_mem>>)
    %mul3A_324 = arith.constant 4096 : i32
    %mul3A_325 = arith.muli %arg1, %mul3A_324 : i32
    %dma_start3A_326 = arith.constant 10 : i32
    %dma_start3A_327 = arith.constant 2 : i32
    %dma_start3A_328 = arith.constant 0 : i32
    %dma_start3A_329 = tpu.memref_slice %arg5[%dma_start3A_327, %dma_start3A_328] : memref<8x4096xf32, #tpu.memory_space<vmem>> -> memref<1x4096xf32, #tpu.memory_space<vmem>>
    %dma_start3A_330 = tpu.memref_squeeze %dma_start3A_329 : memref<1x4096xf32, #tpu.memory_space<vmem>> -> memref<4096xf32, #tpu.memory_space<vmem>>
    %dma_start3A_331 = tpu.memref_slice %arg2[%add3A_278, %dma_start3A_326, %mul3A_325] : memref<4x14x65536xf32, #tpu.memory_space<hbm>> -> memref<1x1x4096xf32, #tpu.memory_space<hbm>>
    %dma_start3A_332 = tpu.memref_squeeze %dma_start3A_331 : memref<1x1x4096xf32, #tpu.memory_space<hbm>> -> memref<4096xf32, #tpu.memory_space<hbm>>
    %dma_start3A_333 = arith.constant 0 : i32
    %dma_start3A_334 = tpu.memref_slice %arg5[%dma_start3A_327, %dma_start3A_333] : memref<8x4096xf32, #tpu.memory_space<vmem>> -> memref<1x4096xf32, #tpu.memory_space<vmem>>
    %dma_start3A_335 = tpu.memref_squeeze %dma_start3A_334 : memref<1x4096xf32, #tpu.memory_space<vmem>> -> memref<4096xf32, #tpu.memory_space<vmem>>
    %dma_start3A_336 = tpu.memref_slice %arg2[%add3A_278, %dma_start3A_326, %mul3A_325] : memref<4x14x65536xf32, #tpu.memory_space<hbm>> -> memref<1x1x4096xf32, #tpu.memory_space<hbm>>
    %dma_start3A_337 = tpu.memref_squeeze %dma_start3A_336 : memref<1x1x4096xf32, #tpu.memory_space<hbm>> -> memref<4096xf32, #tpu.memory_space<hbm>>
    tpu.enqueue_dma source(%dma_start3A_337 : memref<4096xf32, #tpu.memory_space<hbm>>) target(%dma_start3A_335 : memref<4096xf32, #tpu.memory_space<vmem>>) target_semaphore(%arg10 : memref<!tpu.dma_semaphore, #tpu.memory_space<semaphore_mem>>)
    %mul3A_338 = arith.constant 4096 : i32
    %mul3A_339 = arith.muli %arg1, %mul3A_338 : i32
    %dma_start3A_340 = arith.constant 11 : i32
    %dma_start3A_341 = arith.constant 3 : i32
    %dma_start3A_342 = arith.constant 0 : i32
    %dma_start3A_343 = tpu.memref_slice %arg5[%dma_start3A_341, %dma_start3A_342] : memref<8x4096xf32, #tpu.memory_space<vmem>> -> memref<1x4096xf32, #tpu.memory_space<vmem>>
    %dma_start3A_344 = tpu.memref_squeeze %dma_start3A_343 : memref<1x4096xf32, #tpu.memory_space<vmem>> -> memref<4096xf32, #tpu.memory_space<vmem>>
    %dma_start3A_345 = tpu.memref_slice %arg2[%add3A_278, %dma_start3A_340, %mul3A_339] : memref<4x14x65536xf32, #tpu.memory_space<hbm>> -> memref<1x1x4096xf32, #tpu.memory_space<hbm>>
    %dma_start3A_346 = tpu.memref_squeeze %dma_start3A_345 : memref<1x1x4096xf32, #tpu.memory_space<hbm>> -> memref<4096xf32, #tpu.memory_space<hbm>>
    %dma_start3A_347 = arith.constant 0 : i32
    %dma_start3A_348 = tpu.memref_slice %arg5[%dma_start3A_341, %dma_start3A_347] : memref<8x4096xf32, #tpu.memory_space<vmem>> -> memref<1x4096xf32, #tpu.memory_space<vmem>>
    %dma_start3A_349 = tpu.memref_squeeze %dma_start3A_348 : memref<1x4096xf32, #tpu.memory_space<vmem>> -> memref<4096xf32, #tpu.memory_space<vmem>>
    %dma_start3A_350 = tpu.memref_slice %arg2[%add3A_278, %dma_start3A_340, %mul3A_339] : memref<4x14x65536xf32, #tpu.memory_space<hbm>> -> memref<1x1x4096xf32, #tpu.memory_space<hbm>>
    %dma_start3A_351 = tpu.memref_squeeze %dma_start3A_350 : memref<1x1x4096xf32, #tpu.memory_space<hbm>> -> memref<4096xf32, #tpu.memory_space<hbm>>
    tpu.enqueue_dma source(%dma_start3A_351 : memref<4096xf32, #tpu.memory_space<hbm>>) target(%dma_start3A_349 : memref<4096xf32, #tpu.memory_space<vmem>>) target_semaphore(%arg10 : memref<!tpu.dma_semaphore, #tpu.memory_space<semaphore_mem>>)
    %mul3A_352 = arith.constant 4096 : i32
    %mul3A_353 = arith.muli %arg1, %mul3A_352 : i32
    %dma_start3A_354 = arith.constant 12 : i32
    %dma_start3A_355 = arith.constant 4 : i32
    %dma_start3A_356 = arith.constant 0 : i32
    %dma_start3A_357 = tpu.memref_slice %arg5[%dma_start3A_355, %dma_start3A_356] : memref<8x4096xf32, #tpu.memory_space<vmem>> -> memref<1x4096xf32, #tpu.memory_space<vmem>>
    %dma_start3A_358 = tpu.memref_squeeze %dma_start3A_357 : memref<1x4096xf32, #tpu.memory_space<vmem>> -> memref<4096xf32, #tpu.memory_space<vmem>>
    %dma_start3A_359 = tpu.memref_slice %arg2[%add3A_278, %dma_start3A_354, %mul3A_353] : memref<4x14x65536xf32, #tpu.memory_space<hbm>> -> memref<1x1x4096xf32, #tpu.memory_space<hbm>>
    %dma_start3A_360 = tpu.memref_squeeze %dma_start3A_359 : memref<1x1x4096xf32, #tpu.memory_space<hbm>> -> memref<4096xf32, #tpu.memory_space<hbm>>
    %dma_start3A_361 = arith.constant 0 : i32
    %dma_start3A_362 = tpu.memref_slice %arg5[%dma_start3A_355, %dma_start3A_361] : memref<8x4096xf32, #tpu.memory_space<vmem>> -> memref<1x4096xf32, #tpu.memory_space<vmem>>
    %dma_start3A_363 = tpu.memref_squeeze %dma_start3A_362 : memref<1x4096xf32, #tpu.memory_space<vmem>> -> memref<4096xf32, #tpu.memory_space<vmem>>
    %dma_start3A_364 = tpu.memref_slice %arg2[%add3A_278, %dma_start3A_354, %mul3A_353] : memref<4x14x65536xf32, #tpu.memory_space<hbm>> -> memref<1x1x4096xf32, #tpu.memory_space<hbm>>
    %dma_start3A_365 = tpu.memref_squeeze %dma_start3A_364 : memref<1x1x4096xf32, #tpu.memory_space<hbm>> -> memref<4096xf32, #tpu.memory_space<hbm>>
    tpu.enqueue_dma source(%dma_start3A_365 : memref<4096xf32, #tpu.memory_space<hbm>>) target(%dma_start3A_363 : memref<4096xf32, #tpu.memory_space<vmem>>) target_semaphore(%arg10 : memref<!tpu.dma_semaphore, #tpu.memory_space<semaphore_mem>>)
    %mul3A_366 = arith.constant 4096 : i32
    %mul3A_367 = arith.muli %arg1, %mul3A_366 : i32
    %dma_start3A_368 = arith.constant 13 : i32
    %dma_start3A_369 = arith.constant 5 : i32
    %dma_start3A_370 = arith.constant 0 : i32
    %dma_start3A_371 = tpu.memref_slice %arg5[%dma_start3A_369, %dma_start3A_370] : memref<8x4096xf32, #tpu.memory_space<vmem>> -> memref<1x4096xf32, #tpu.memory_space<vmem>>
    %dma_start3A_372 = tpu.memref_squeeze %dma_start3A_371 : memref<1x4096xf32, #tpu.memory_space<vmem>> -> memref<4096xf32, #tpu.memory_space<vmem>>
    %dma_start3A_373 = tpu.memref_slice %arg2[%add3A_278, %dma_start3A_368, %mul3A_367] : memref<4x14x65536xf32, #tpu.memory_space<hbm>> -> memref<1x1x4096xf32, #tpu.memory_space<hbm>>
    %dma_start3A_374 = tpu.memref_squeeze %dma_start3A_373 : memref<1x1x4096xf32, #tpu.memory_space<hbm>> -> memref<4096xf32, #tpu.memory_space<hbm>>
    %dma_start3A_375 = arith.constant 0 : i32
    %dma_start3A_376 = tpu.memref_slice %arg5[%dma_start3A_369, %dma_start3A_375] : memref<8x4096xf32, #tpu.memory_space<vmem>> -> memref<1x4096xf32, #tpu.memory_space<vmem>>
    %dma_start3A_377 = tpu.memref_squeeze %dma_start3A_376 : memref<1x4096xf32, #tpu.memory_space<vmem>> -> memref<4096xf32, #tpu.memory_space<vmem>>
    %dma_start3A_378 = tpu.memref_slice %arg2[%add3A_278, %dma_start3A_368, %mul3A_367] : memref<4x14x65536xf32, #tpu.memory_space<hbm>> -> memref<1x1x4096xf32, #tpu.memory_space<hbm>>
    %dma_start3A_379 = tpu.memref_squeeze %dma_start3A_378 : memref<1x1x4096xf32, #tpu.memory_space<hbm>> -> memref<4096xf32, #tpu.memory_space<hbm>>
    tpu.enqueue_dma source(%dma_start3A_379 : memref<4096xf32, #tpu.memory_space<hbm>>) target(%dma_start3A_377 : memref<4096xf32, #tpu.memory_space<vmem>>) target_semaphore(%arg10 : memref<!tpu.dma_semaphore, #tpu.memory_space<semaphore_mem>>)
    %mul3A_380 = arith.constant 4096 : i32
    %mul3A_381 = arith.muli %arg1, %mul3A_380 : i32
    %dma_start3A_382 = arith.constant 0 : i32
    %dma_start3A_383 = arith.constant 6 : i32
    %dma_start3A_384 = arith.constant 0 : i32
    %dma_start3A_385 = tpu.memref_slice %arg5[%dma_start3A_383, %dma_start3A_384] : memref<8x4096xf32, #tpu.memory_space<vmem>> -> memref<1x4096xf32, #tpu.memory_space<vmem>>
    %dma_start3A_386 = tpu.memref_squeeze %dma_start3A_385 : memref<1x4096xf32, #tpu.memory_space<vmem>> -> memref<4096xf32, #tpu.memory_space<vmem>>
    %dma_start3A_387 = tpu.memref_slice %arg3[%add3A_278, %dma_start3A_382, %mul3A_381] : memref<4x3x65536xf32, #tpu.memory_space<hbm>> -> memref<1x1x4096xf32, #tpu.memory_space<hbm>>
    %dma_start3A_388 = tpu.memref_squeeze %dma_start3A_387 : memref<1x1x4096xf32, #tpu.memory_space<hbm>> -> memref<4096xf32, #tpu.memory_space<hbm>>
    %dma_start3A_389 = arith.constant 0 : i32
    %dma_start3A_390 = tpu.memref_slice %arg5[%dma_start3A_383, %dma_start3A_389] : memref<8x4096xf32, #tpu.memory_space<vmem>> -> memref<1x4096xf32, #tpu.memory_space<vmem>>
    %dma_start3A_391 = tpu.memref_squeeze %dma_start3A_390 : memref<1x4096xf32, #tpu.memory_space<vmem>> -> memref<4096xf32, #tpu.memory_space<vmem>>
    %dma_start3A_392 = tpu.memref_slice %arg3[%add3A_278, %dma_start3A_382, %mul3A_381] : memref<4x3x65536xf32, #tpu.memory_space<hbm>> -> memref<1x1x4096xf32, #tpu.memory_space<hbm>>
    %dma_start3A_393 = tpu.memref_squeeze %dma_start3A_392 : memref<1x1x4096xf32, #tpu.memory_space<hbm>> -> memref<4096xf32, #tpu.memory_space<hbm>>
    tpu.enqueue_dma source(%dma_start3A_393 : memref<4096xf32, #tpu.memory_space<hbm>>) target(%dma_start3A_391 : memref<4096xf32, #tpu.memory_space<vmem>>) target_semaphore(%arg10 : memref<!tpu.dma_semaphore, #tpu.memory_space<semaphore_mem>>)
    %mul3A_394 = arith.constant 4096 : i32
    %mul3A_395 = arith.muli %arg1, %mul3A_394 : i32
    %dma_start3A_396 = arith.constant 1 : i32
    %dma_start3A_397 = arith.constant 7 : i32
    %dma_start3A_398 = arith.constant 0 : i32
    %dma_start3A_399 = tpu.memref_slice %arg5[%dma_start3A_397, %dma_start3A_398] : memref<8x4096xf32, #tpu.memory_space<vmem>> -> memref<1x4096xf32, #tpu.memory_space<vmem>>
    %dma_start3A_400 = tpu.memref_squeeze %dma_start3A_399 : memref<1x4096xf32, #tpu.memory_space<vmem>> -> memref<4096xf32, #tpu.memory_space<vmem>>
    %dma_start3A_401 = tpu.memref_slice %arg3[%add3A_278, %dma_start3A_396, %mul3A_395] : memref<4x3x65536xf32, #tpu.memory_space<hbm>> -> memref<1x1x4096xf32, #tpu.memory_space<hbm>>
    %dma_start3A_402 = tpu.memref_squeeze %dma_start3A_401 : memref<1x1x4096xf32, #tpu.memory_space<hbm>> -> memref<4096xf32, #tpu.memory_space<hbm>>
    %dma_start3A_403 = arith.constant 0 : i32
    %dma_start3A_404 = tpu.memref_slice %arg5[%dma_start3A_397, %dma_start3A_403] : memref<8x4096xf32, #tpu.memory_space<vmem>> -> memref<1x4096xf32, #tpu.memory_space<vmem>>
    %dma_start3A_405 = tpu.memref_squeeze %dma_start3A_404 : memref<1x4096xf32, #tpu.memory_space<vmem>> -> memref<4096xf32, #tpu.memory_space<vmem>>
    %dma_start3A_406 = tpu.memref_slice %arg3[%add3A_278, %dma_start3A_396, %mul3A_395] : memref<4x3x65536xf32, #tpu.memory_space<hbm>> -> memref<1x1x4096xf32, #tpu.memory_space<hbm>>
    %dma_start3A_407 = tpu.memref_squeeze %dma_start3A_406 : memref<1x1x4096xf32, #tpu.memory_space<hbm>> -> memref<4096xf32, #tpu.memory_space<hbm>>
    tpu.enqueue_dma source(%dma_start3A_407 : memref<4096xf32, #tpu.memory_space<hbm>>) target(%dma_start3A_405 : memref<4096xf32, #tpu.memory_space<vmem>>) target_semaphore(%arg10 : memref<!tpu.dma_semaphore, #tpu.memory_space<semaphore_mem>>)
    %dma_wait3A_408 = arith.constant 0 : i32
    %dma_wait3A_409 = arith.constant 0 : i32
    %dma_wait3A_410 = arith.constant 0 : i32
    %dma_wait3A_411 = tpu.memref_slice %arg5[%dma_wait3A_409, %dma_wait3A_410] : memref<8x4096xf32, #tpu.memory_space<vmem>> -> memref<1x4096xf32, #tpu.memory_space<vmem>>
    %dma_wait3A_412 = tpu.memref_squeeze %dma_wait3A_411 : memref<1x4096xf32, #tpu.memory_space<vmem>> -> memref<4096xf32, #tpu.memory_space<vmem>>
    %dma_wait3A_413 = tpu.memref_slice %arg2[%add3A_278, %dma_wait3A_408, %mul3A_297] : memref<4x14x65536xf32, #tpu.memory_space<hbm>> -> memref<1x1x4096xf32, #tpu.memory_space<hbm>>
    %dma_wait3A_414 = tpu.memref_squeeze %dma_wait3A_413 : memref<1x1x4096xf32, #tpu.memory_space<hbm>> -> memref<4096xf32, #tpu.memory_space<hbm>>
    %dma_wait3A_415 = arith.constant 0 : i32
    %dma_wait3A_416 = tpu.memref_slice %arg5[%dma_wait3A_409, %dma_wait3A_415] : memref<8x4096xf32, #tpu.memory_space<vmem>> -> memref<1x4096xf32, #tpu.memory_space<vmem>>
    %dma_wait3A_417 = tpu.memref_squeeze %dma_wait3A_416 : memref<1x4096xf32, #tpu.memory_space<vmem>> -> memref<4096xf32, #tpu.memory_space<vmem>>
    %dma_wait3A_418 = tpu.memref_slice %arg2[%add3A_278, %dma_wait3A_408, %mul3A_297] : memref<4x14x65536xf32, #tpu.memory_space<hbm>> -> memref<1x1x4096xf32, #tpu.memory_space<hbm>>
    %dma_wait3A_419 = tpu.memref_squeeze %dma_wait3A_418 : memref<1x1x4096xf32, #tpu.memory_space<hbm>> -> memref<4096xf32, #tpu.memory_space<hbm>>
    tpu.wait_dma2 semaphore(%arg10 : memref<!tpu.dma_semaphore, #tpu.memory_space<semaphore_mem>>) src(%dma_wait3A_419 : memref<4096xf32, #tpu.memory_space<hbm>>) dst(%dma_wait3A_417 : memref<4096xf32, #tpu.memory_space<vmem>>)
    %dma_wait3A_420 = arith.constant 1 : i32
    %dma_wait3A_421 = arith.constant 1 : i32
    %dma_wait3A_422 = arith.constant 0 : i32
    %dma_wait3A_423 = tpu.memref_slice %arg5[%dma_wait3A_421, %dma_wait3A_422] : memref<8x4096xf32, #tpu.memory_space<vmem>> -> memref<1x4096xf32, #tpu.memory_space<vmem>>
    %dma_wait3A_424 = tpu.memref_squeeze %dma_wait3A_423 : memref<1x4096xf32, #tpu.memory_space<vmem>> -> memref<4096xf32, #tpu.memory_space<vmem>>
    %dma_wait3A_425 = tpu.memref_slice %arg2[%add3A_278, %dma_wait3A_420, %mul3A_311] : memref<4x14x65536xf32, #tpu.memory_space<hbm>> -> memref<1x1x4096xf32, #tpu.memory_space<hbm>>
    %dma_wait3A_426 = tpu.memref_squeeze %dma_wait3A_425 : memref<1x1x4096xf32, #tpu.memory_space<hbm>> -> memref<4096xf32, #tpu.memory_space<hbm>>
    %dma_wait3A_427 = arith.constant 0 : i32
    %dma_wait3A_428 = tpu.memref_slice %arg5[%dma_wait3A_421, %dma_wait3A_427] : memref<8x4096xf32, #tpu.memory_space<vmem>> -> memref<1x4096xf32, #tpu.memory_space<vmem>>
    %dma_wait3A_429 = tpu.memref_squeeze %dma_wait3A_428 : memref<1x4096xf32, #tpu.memory_space<vmem>> -> memref<4096xf32, #tpu.memory_space<vmem>>
    %dma_wait3A_430 = tpu.memref_slice %arg2[%add3A_278, %dma_wait3A_420, %mul3A_311] : memref<4x14x65536xf32, #tpu.memory_space<hbm>> -> memref<1x1x4096xf32, #tpu.memory_space<hbm>>
    %dma_wait3A_431 = tpu.memref_squeeze %dma_wait3A_430 : memref<1x1x4096xf32, #tpu.memory_space<hbm>> -> memref<4096xf32, #tpu.memory_space<hbm>>
    tpu.wait_dma2 semaphore(%arg10 : memref<!tpu.dma_semaphore, #tpu.memory_space<semaphore_mem>>) src(%dma_wait3A_431 : memref<4096xf32, #tpu.memory_space<hbm>>) dst(%dma_wait3A_429 : memref<4096xf32, #tpu.memory_space<vmem>>)
    %dma_wait3A_432 = arith.constant 10 : i32
    %dma_wait3A_433 = arith.constant 2 : i32
    %dma_wait3A_434 = arith.constant 0 : i32
    %dma_wait3A_435 = tpu.memref_slice %arg5[%dma_wait3A_433, %dma_wait3A_434] : memref<8x4096xf32, #tpu.memory_space<vmem>> -> memref<1x4096xf32, #tpu.memory_space<vmem>>
    %dma_wait3A_436 = tpu.memref_squeeze %dma_wait3A_435 : memref<1x4096xf32, #tpu.memory_space<vmem>> -> memref<4096xf32, #tpu.memory_space<vmem>>
    %dma_wait3A_437 = tpu.memref_slice %arg2[%add3A_278, %dma_wait3A_432, %mul3A_325] : memref<4x14x65536xf32, #tpu.memory_space<hbm>> -> memref<1x1x4096xf32, #tpu.memory_space<hbm>>
    %dma_wait3A_438 = tpu.memref_squeeze %dma_wait3A_437 : memref<1x1x4096xf32, #tpu.memory_space<hbm>> -> memref<4096xf32, #tpu.memory_space<hbm>>
    %dma_wait3A_439 = arith.constant 0 : i32
    %dma_wait3A_440 = tpu.memref_slice %arg5[%dma_wait3A_433, %dma_wait3A_439] : memref<8x4096xf32, #tpu.memory_space<vmem>> -> memref<1x4096xf32, #tpu.memory_space<vmem>>
    %dma_wait3A_441 = tpu.memref_squeeze %dma_wait3A_440 : memref<1x4096xf32, #tpu.memory_space<vmem>> -> memref<4096xf32, #tpu.memory_space<vmem>>
    %dma_wait3A_442 = tpu.memref_slice %arg2[%add3A_278, %dma_wait3A_432, %mul3A_325] : memref<4x14x65536xf32, #tpu.memory_space<hbm>> -> memref<1x1x4096xf32, #tpu.memory_space<hbm>>
    %dma_wait3A_443 = tpu.memref_squeeze %dma_wait3A_442 : memref<1x1x4096xf32, #tpu.memory_space<hbm>> -> memref<4096xf32, #tpu.memory_space<hbm>>
    tpu.wait_dma2 semaphore(%arg10 : memref<!tpu.dma_semaphore, #tpu.memory_space<semaphore_mem>>) src(%dma_wait3A_443 : memref<4096xf32, #tpu.memory_space<hbm>>) dst(%dma_wait3A_441 : memref<4096xf32, #tpu.memory_space<vmem>>)
    %dma_wait3A_444 = arith.constant 11 : i32
    %dma_wait3A_445 = arith.constant 3 : i32
    %dma_wait3A_446 = arith.constant 0 : i32
    %dma_wait3A_447 = tpu.memref_slice %arg5[%dma_wait3A_445, %dma_wait3A_446] : memref<8x4096xf32, #tpu.memory_space<vmem>> -> memref<1x4096xf32, #tpu.memory_space<vmem>>
    %dma_wait3A_448 = tpu.memref_squeeze %dma_wait3A_447 : memref<1x4096xf32, #tpu.memory_space<vmem>> -> memref<4096xf32, #tpu.memory_space<vmem>>
    %dma_wait3A_449 = tpu.memref_slice %arg2[%add3A_278, %dma_wait3A_444, %mul3A_339] : memref<4x14x65536xf32, #tpu.memory_space<hbm>> -> memref<1x1x4096xf32, #tpu.memory_space<hbm>>
    %dma_wait3A_450 = tpu.memref_squeeze %dma_wait3A_449 : memref<1x1x4096xf32, #tpu.memory_space<hbm>> -> memref<4096xf32, #tpu.memory_space<hbm>>
    %dma_wait3A_451 = arith.constant 0 : i32
    %dma_wait3A_452 = tpu.memref_slice %arg5[%dma_wait3A_445, %dma_wait3A_451] : memref<8x4096xf32, #tpu.memory_space<vmem>> -> memref<1x4096xf32, #tpu.memory_space<vmem>>
    %dma_wait3A_453 = tpu.memref_squeeze %dma_wait3A_452 : memref<1x4096xf32, #tpu.memory_space<vmem>> -> memref<4096xf32, #tpu.memory_space<vmem>>
    %dma_wait3A_454 = tpu.memref_slice %arg2[%add3A_278, %dma_wait3A_444, %mul3A_339] : memref<4x14x65536xf32, #tpu.memory_space<hbm>> -> memref<1x1x4096xf32, #tpu.memory_space<hbm>>
    %dma_wait3A_455 = tpu.memref_squeeze %dma_wait3A_454 : memref<1x1x4096xf32, #tpu.memory_space<hbm>> -> memref<4096xf32, #tpu.memory_space<hbm>>
    tpu.wait_dma2 semaphore(%arg10 : memref<!tpu.dma_semaphore, #tpu.memory_space<semaphore_mem>>) src(%dma_wait3A_455 : memref<4096xf32, #tpu.memory_space<hbm>>) dst(%dma_wait3A_453 : memref<4096xf32, #tpu.memory_space<vmem>>)
    %dma_wait3A_456 = arith.constant 12 : i32
    %dma_wait3A_457 = arith.constant 4 : i32
    %dma_wait3A_458 = arith.constant 0 : i32
    %dma_wait3A_459 = tpu.memref_slice %arg5[%dma_wait3A_457, %dma_wait3A_458] : memref<8x4096xf32, #tpu.memory_space<vmem>> -> memref<1x4096xf32, #tpu.memory_space<vmem>>
    %dma_wait3A_460 = tpu.memref_squeeze %dma_wait3A_459 : memref<1x4096xf32, #tpu.memory_space<vmem>> -> memref<4096xf32, #tpu.memory_space<vmem>>
    %dma_wait3A_461 = tpu.memref_slice %arg2[%add3A_278, %dma_wait3A_456, %mul3A_353] : memref<4x14x65536xf32, #tpu.memory_space<hbm>> -> memref<1x1x4096xf32, #tpu.memory_space<hbm>>
    %dma_wait3A_462 = tpu.memref_squeeze %dma_wait3A_461 : memref<1x1x4096xf32, #tpu.memory_space<hbm>> -> memref<4096xf32, #tpu.memory_space<hbm>>
    %dma_wait3A_463 = arith.constant 0 : i32
    %dma_wait3A_464 = tpu.memref_slice %arg5[%dma_wait3A_457, %dma_wait3A_463] : memref<8x4096xf32, #tpu.memory_space<vmem>> -> memref<1x4096xf32, #tpu.memory_space<vmem>>
    %dma_wait3A_465 = tpu.memref_squeeze %dma_wait3A_464 : memref<1x4096xf32, #tpu.memory_space<vmem>> -> memref<4096xf32, #tpu.memory_space<vmem>>
    %dma_wait3A_466 = tpu.memref_slice %arg2[%add3A_278, %dma_wait3A_456, %mul3A_353] : memref<4x14x65536xf32, #tpu.memory_space<hbm>> -> memref<1x1x4096xf32, #tpu.memory_space<hbm>>
    %dma_wait3A_467 = tpu.memref_squeeze %dma_wait3A_466 : memref<1x1x4096xf32, #tpu.memory_space<hbm>> -> memref<4096xf32, #tpu.memory_space<hbm>>
    tpu.wait_dma2 semaphore(%arg10 : memref<!tpu.dma_semaphore, #tpu.memory_space<semaphore_mem>>) src(%dma_wait3A_467 : memref<4096xf32, #tpu.memory_space<hbm>>) dst(%dma_wait3A_465 : memref<4096xf32, #tpu.memory_space<vmem>>)
    %dma_wait3A_468 = arith.constant 13 : i32
    %dma_wait3A_469 = arith.constant 5 : i32
    %dma_wait3A_470 = arith.constant 0 : i32
    %dma_wait3A_471 = tpu.memref_slice %arg5[%dma_wait3A_469, %dma_wait3A_470] : memref<8x4096xf32, #tpu.memory_space<vmem>> -> memref<1x4096xf32, #tpu.memory_space<vmem>>
    %dma_wait3A_472 = tpu.memref_squeeze %dma_wait3A_471 : memref<1x4096xf32, #tpu.memory_space<vmem>> -> memref<4096xf32, #tpu.memory_space<vmem>>
    %dma_wait3A_473 = tpu.memref_slice %arg2[%add3A_278, %dma_wait3A_468, %mul3A_367] : memref<4x14x65536xf32, #tpu.memory_space<hbm>> -> memref<1x1x4096xf32, #tpu.memory_space<hbm>>
    %dma_wait3A_474 = tpu.memref_squeeze %dma_wait3A_473 : memref<1x1x4096xf32, #tpu.memory_space<hbm>> -> memref<4096xf32, #tpu.memory_space<hbm>>
    %dma_wait3A_475 = arith.constant 0 : i32
    %dma_wait3A_476 = tpu.memref_slice %arg5[%dma_wait3A_469, %dma_wait3A_475] : memref<8x4096xf32, #tpu.memory_space<vmem>> -> memref<1x4096xf32, #tpu.memory_space<vmem>>
    %dma_wait3A_477 = tpu.memref_squeeze %dma_wait3A_476 : memref<1x4096xf32, #tpu.memory_space<vmem>> -> memref<4096xf32, #tpu.memory_space<vmem>>
    %dma_wait3A_478 = tpu.memref_slice %arg2[%add3A_278, %dma_wait3A_468, %mul3A_367] : memref<4x14x65536xf32, #tpu.memory_space<hbm>> -> memref<1x1x4096xf32, #tpu.memory_space<hbm>>
    %dma_wait3A_479 = tpu.memref_squeeze %dma_wait3A_478 : memref<1x1x4096xf32, #tpu.memory_space<hbm>> -> memref<4096xf32, #tpu.memory_space<hbm>>
    tpu.wait_dma2 semaphore(%arg10 : memref<!tpu.dma_semaphore, #tpu.memory_space<semaphore_mem>>) src(%dma_wait3A_479 : memref<4096xf32, #tpu.memory_space<hbm>>) dst(%dma_wait3A_477 : memref<4096xf32, #tpu.memory_space<vmem>>)
    %dma_wait3A_480 = arith.constant 0 : i32
    %dma_wait3A_481 = arith.constant 6 : i32
    %dma_wait3A_482 = arith.constant 0 : i32
    %dma_wait3A_483 = tpu.memref_slice %arg5[%dma_wait3A_481, %dma_wait3A_482] : memref<8x4096xf32, #tpu.memory_space<vmem>> -> memref<1x4096xf32, #tpu.memory_space<vmem>>
    %dma_wait3A_484 = tpu.memref_squeeze %dma_wait3A_483 : memref<1x4096xf32, #tpu.memory_space<vmem>> -> memref<4096xf32, #tpu.memory_space<vmem>>
    %dma_wait3A_485 = tpu.memref_slice %arg3[%add3A_278, %dma_wait3A_480, %mul3A_381] : memref<4x3x65536xf32, #tpu.memory_space<hbm>> -> memref<1x1x4096xf32, #tpu.memory_space<hbm>>
    %dma_wait3A_486 = tpu.memref_squeeze %dma_wait3A_485 : memref<1x1x4096xf32, #tpu.memory_space<hbm>> -> memref<4096xf32, #tpu.memory_space<hbm>>
    %dma_wait3A_487 = arith.constant 0 : i32
    %dma_wait3A_488 = tpu.memref_slice %arg5[%dma_wait3A_481, %dma_wait3A_487] : memref<8x4096xf32, #tpu.memory_space<vmem>> -> memref<1x4096xf32, #tpu.memory_space<vmem>>
    %dma_wait3A_489 = tpu.memref_squeeze %dma_wait3A_488 : memref<1x4096xf32, #tpu.memory_space<vmem>> -> memref<4096xf32, #tpu.memory_space<vmem>>
    %dma_wait3A_490 = tpu.memref_slice %arg3[%add3A_278, %dma_wait3A_480, %mul3A_381] : memref<4x3x65536xf32, #tpu.memory_space<hbm>> -> memref<1x1x4096xf32, #tpu.memory_space<hbm>>
    %dma_wait3A_491 = tpu.memref_squeeze %dma_wait3A_490 : memref<1x1x4096xf32, #tpu.memory_space<hbm>> -> memref<4096xf32, #tpu.memory_space<hbm>>
    tpu.wait_dma2 semaphore(%arg10 : memref<!tpu.dma_semaphore, #tpu.memory_space<semaphore_mem>>) src(%dma_wait3A_491 : memref<4096xf32, #tpu.memory_space<hbm>>) dst(%dma_wait3A_489 : memref<4096xf32, #tpu.memory_space<vmem>>)
    %dma_wait3A_492 = arith.constant 1 : i32
    %dma_wait3A_493 = arith.constant 7 : i32
    %dma_wait3A_494 = arith.constant 0 : i32
    %dma_wait3A_495 = tpu.memref_slice %arg5[%dma_wait3A_493, %dma_wait3A_494] : memref<8x4096xf32, #tpu.memory_space<vmem>> -> memref<1x4096xf32, #tpu.memory_space<vmem>>
    %dma_wait3A_496 = tpu.memref_squeeze %dma_wait3A_495 : memref<1x4096xf32, #tpu.memory_space<vmem>> -> memref<4096xf32, #tpu.memory_space<vmem>>
    %dma_wait3A_497 = tpu.memref_slice %arg3[%add3A_278, %dma_wait3A_492, %mul3A_395] : memref<4x3x65536xf32, #tpu.memory_space<hbm>> -> memref<1x1x4096xf32, #tpu.memory_space<hbm>>
    %dma_wait3A_498 = tpu.memref_squeeze %dma_wait3A_497 : memref<1x1x4096xf32, #tpu.memory_space<hbm>> -> memref<4096xf32, #tpu.memory_space<hbm>>
    %dma_wait3A_499 = arith.constant 0 : i32
    %dma_wait3A_500 = tpu.memref_slice %arg5[%dma_wait3A_493, %dma_wait3A_499] : memref<8x4096xf32, #tpu.memory_space<vmem>> -> memref<1x4096xf32, #tpu.memory_space<vmem>>
    %dma_wait3A_501 = tpu.memref_squeeze %dma_wait3A_500 : memref<1x4096xf32, #tpu.memory_space<vmem>> -> memref<4096xf32, #tpu.memory_space<vmem>>
    %dma_wait3A_502 = tpu.memref_slice %arg3[%add3A_278, %dma_wait3A_492, %mul3A_395] : memref<4x3x65536xf32, #tpu.memory_space<hbm>> -> memref<1x1x4096xf32, #tpu.memory_space<hbm>>
    %dma_wait3A_503 = tpu.memref_squeeze %dma_wait3A_502 : memref<1x1x4096xf32, #tpu.memory_space<hbm>> -> memref<4096xf32, #tpu.memory_space<hbm>>
    tpu.wait_dma2 semaphore(%arg10 : memref<!tpu.dma_semaphore, #tpu.memory_space<semaphore_mem>>) src(%dma_wait3A_503 : memref<4096xf32, #tpu.memory_space<hbm>>) dst(%dma_wait3A_501 : memref<4096xf32, #tpu.memory_space<vmem>>)
    %scan3A_504 = arith.constant 0 : i32
    %scan3A_505 = arith.constant 0 : i32
    %scan3A_506 = arith.constant 256 : i32
    %scan3A_507 = arith.addi %scan3A_505, %scan3A_506 : i32
    %scan3A_508 = arith.constant 1 : i32
    scf.for %scan3A_555 = %scan3A_505 to %scan3A_507 step %scan3A_508  : i32 {
      %mul3A_556 = arith.constant 16 : i32
      %mul3A_557 = arith.muli %scan3A_555, %mul3A_556 : i32
      %get3A = arith.constant 6 : i32
      %get3A_558 = arith.index_cast %get3A : i32 to index
      %get3A_559 = arith.index_cast %mul3A_557 : i32 to index
      %get3A_560 = tpu.vector_load %arg5[%get3A_558, %get3A_559] {strides = array<i32>} : memref<8x4096xf32, #tpu.memory_space<vmem>>, vector<1x16xf32>,
      %get3A_561 = vector.shape_cast %get3A_560 : vector<1x16xf32> to vector<16xf32>
      %get3A_562 = arith.constant 0 : i32
      %get3A_563 = arith.index_cast %get3A_562 : i32 to index
      %get3A_564 = arith.index_cast %mul3A_557 : i32 to index
      %get3A_565 = tpu.vector_load %arg5[%get3A_563, %get3A_564] {strides = array<i32>} : memref<8x4096xf32, #tpu.memory_space<vmem>>, vector<1x16xf32>,
      %get3A_566 = vector.shape_cast %get3A_565 : vector<1x16xf32> to vector<16xf32>
      %add3A_567 = arith.addf %get3A_561, %get3A_566 : vector<16xf32>
      %add3A_568 = arith.constant 1.000000e+00 : f32
      %add3A_569 = vector.broadcast %add3A_568 : f32 to vector<16xf32>
      %add3A_570 = arith.addf %add3A_567, %add3A_569 : vector<16xf32>
      %mul3A_571 = arith.constant 2.560000e+02 : f32
      %mul3A_572 = vector.broadcast %mul3A_571 : f32 to vector<16xf32>
      %mul3A_573 = arith.mulf %add3A_570, %mul3A_572 : vector<16xf32>
      %get3A_574 = arith.constant 7 : i32
      %get3A_575 = arith.index_cast %get3A_574 : i32 to index
      %get3A_576 = arith.index_cast %mul3A_557 : i32 to index
      %get3A_577 = tpu.vector_load %arg5[%get3A_575, %get3A_576] {strides = array<i32>} : memref<8x4096xf32, #tpu.memory_space<vmem>>, vector<1x16xf32>,
      %get3A_578 = vector.shape_cast %get3A_577 : vector<1x16xf32> to vector<16xf32>
      %get3A_579 = arith.constant 1 : i32
      %get3A_580 = arith.index_cast %get3A_579 : i32 to index
      %get3A_581 = arith.index_cast %mul3A_557 : i32 to index
      %get3A_582 = tpu.vector_load %arg5[%get3A_580, %get3A_581] {strides = array<i32>} : memref<8x4096xf32, #tpu.memory_space<vmem>>, vector<1x16xf32>,
      %get3A_583 = vector.shape_cast %get3A_582 : vector<1x16xf32> to vector<16xf32>
      %add3A_584 = arith.addf %get3A_578, %get3A_583 : vector<16xf32>
      %add3A_585 = arith.constant 1.000000e+00 : f32
      %add3A_586 = vector.broadcast %add3A_585 : f32 to vector<16xf32>
      %add3A_587 = arith.addf %add3A_584, %add3A_586 : vector<16xf32>
      %mul3A_588 = arith.constant 2.560000e+02 : f32
      %mul3A_589 = vector.broadcast %mul3A_588 : f32 to vector<16xf32>
      %mul3A_590 = arith.mulf %add3A_587, %mul3A_589 : vector<16xf32>
      %jit3A = arith.constant 0.000000e+00 : f32
      %jit3A_591 = arith.constant 5.110000e+02 : f32
      %max3A = vector.broadcast %jit3A : f32 to vector<16xf32>
      %max3A_592 = arith.maximumf %max3A, %mul3A_573 : vector<16xf32>
      %min3A = vector.broadcast %jit3A_591 : f32 to vector<16xf32>
      %min3A_593 = arith.minimumf %min3A, %max3A_592 : vector<16xf32>
      %convert_element_type3A = arith.fptosi %min3A_593 : vector<16xf32> to vector<16xi32>
      %jit3A_594 = arith.constant 0.000000e+00 : f32
      %jit3A_595 = arith.constant 5.110000e+02 : f32
      %max3A_596 = vector.broadcast %jit3A_594 : f32 to vector<16xf32>
      %max3A_597 = arith.maximumf %max3A_596, %mul3A_590 : vector<16xf32>
      %min3A_598 = vector.broadcast %jit3A_595 : f32 to vector<16xf32>
      %min3A_599 = arith.minimumf %min3A_598, %max3A_597 : vector<16xf32>
      %convert_element_type3A_600 = arith.fptosi %min3A_599 : vector<16xf32> to vector<16xi32>
      %mul3A_601 = arith.constant 512 : i32
      %mul3A_602 = vector.broadcast %mul3A_601 : i32 to vector<16xi32>
      %mul3A_603 = arith.muli %convert_element_type3A_600, %mul3A_602 : vector<16xi32>
      %add3A_604 = arith.addi %mul3A_603, %convert_element_type3A : vector<16xi32>
      %get3A_605 = arith.constant 2 : i32
      %get3A_606 = arith.index_cast %get3A_605 : i32 to index
      %get3A_607 = arith.index_cast %mul3A_557 : i32 to index
      %get3A_608 = tpu.vector_load %arg5[%get3A_606, %get3A_607] {strides = array<i32>} : memref<8x4096xf32, #tpu.memory_space<vmem>>, vector<1x16xf32>,
      %get3A_609 = vector.shape_cast %get3A_608 : vector<1x16xf32> to vector<16xf32>
      %neg3A = arith.constant 0.000000e+00 : f32
      %neg3A_610 = vector.broadcast %neg3A : f32 to vector<16xf32>
      %neg3A_611 = arith.subf %neg3A_610, %get3A_609 : vector<16xf32>
      %exp3A = math.exp %neg3A_611 : vector<16xf32>
      %add3A_612 = arith.constant 1.000000e+00 : f32
      %add3A_613 = vector.broadcast %add3A_612 : f32 to vector<16xf32>
      %add3A_614 = arith.addf %add3A_613, %exp3A : vector<16xf32>
      %div3A = arith.constant 1.000000e+00 : f32
      %div3A_615 = vector.broadcast %div3A : f32 to vector<16xf32>
      %div3A_616 = arith.divf %div3A_615, %add3A_614 : vector<16xf32>
      %swap3A = arith.index_cast %mul3A_557 : i32 to index
      %swap3A_617 = tpu.vector_load %arg6[%swap3A] {strides = array<i32>} : memref<12288xi32, #tpu.memory_space<vmem>>, vector<16xi32>,
      %swap3A_618 = vector.shape_cast %swap3A_617 : vector<16xi32> to vector<16xi32>
      %swap3A_619 = vector.shape_cast %add3A_604 : vector<16xi32> to vector<16xi32>
      tpu.vector_store %arg6[%swap3A], %swap3A_619 {strides = array<i32>} : memref<12288xi32, #tpu.memory_space<vmem>>, vector<16xi32>,
      %add3A_620 = arith.constant 262144 : i32
      %add3A_621 = vector.broadcast %add3A_620 : i32 to vector<16xi32>
      %add3A_622 = arith.addi %add3A_604, %add3A_621 : vector<16xi32>
      %mul3A_623 = arith.constant 16 : i32
      %mul3A_624 = arith.muli %scan3A_555, %mul3A_623 : i32
      %add3A_625 = arith.constant 4096 : i32
      %add3A_626 = arith.addi %add3A_625, %mul3A_624 : i32
      %swap3A_627 = arith.index_cast %add3A_626 : i32 to index
      %swap3A_628 = tpu.vector_load %arg6[%swap3A_627] {strides = array<i32>} : memref<12288xi32, #tpu.memory_space<vmem>>, vector<16xi32>,
      %swap3A_629 = vector.shape_cast %swap3A_628 : vector<16xi32> to vector<16xi32>
      %swap3A_630 = vector.shape_cast %add3A_622 : vector<16xi32> to vector<16xi32>
      tpu.vector_store %arg6[%swap3A_627], %swap3A_630 {strides = array<i32>} : memref<12288xi32, #tpu.memory_space<vmem>>, vector<16xi32>,
      %add3A_631 = arith.constant 524288 : i32
      %add3A_632 = vector.broadcast %add3A_631 : i32 to vector<16xi32>
      %add3A_633 = arith.addi %add3A_604, %add3A_632 : vector<16xi32>
      %mul3A_634 = arith.constant 16 : i32
      %mul3A_635 = arith.muli %scan3A_555, %mul3A_634 : i32
      %add3A_636 = arith.constant 8192 : i32
      %add3A_637 = arith.addi %add3A_636, %mul3A_635 : i32
      %swap3A_638 = arith.index_cast %add3A_637 : i32 to index
      %swap3A_639 = tpu.vector_load %arg6[%swap3A_638] {strides = array<i32>} : memref<12288xi32, #tpu.memory_space<vmem>>, vector<16xi32>,
      %swap3A_640 = vector.shape_cast %swap3A_639 : vector<16xi32> to vector<16xi32>
      %swap3A_641 = vector.shape_cast %add3A_633 : vector<16xi32> to vector<16xi32>
      tpu.vector_store %arg6[%swap3A_638], %swap3A_641 {strides = array<i32>} : memref<12288xi32, #tpu.memory_space<vmem>>, vector<16xi32>,
      %get3A_642 = arith.constant 3 : i32
      %get3A_643 = arith.index_cast %get3A_642 : i32 to index
      %get3A_644 = arith.index_cast %mul3A_557 : i32 to index
      %get3A_645 = tpu.vector_load %arg5[%get3A_643, %get3A_644] {strides = array<i32>} : memref<8x4096xf32, #tpu.memory_space<vmem>>, vector<1x16xf32>,
      %get3A_646 = vector.shape_cast %get3A_645 : vector<1x16xf32> to vector<16xf32>
      %mul3A_647 = arith.mulf %get3A_646, %div3A_616 : vector<16xf32>
      %swap3A_648 = arith.index_cast %mul3A_557 : i32 to index
      %swap3A_649 = tpu.vector_load %arg7[%swap3A_648] {strides = array<i32>} : memref<12288xf32, #tpu.memory_space<vmem>>, vector<16xf32>,
      %swap3A_650 = vector.shape_cast %swap3A_649 : vector<16xf32> to vector<16xf32>
      %swap3A_651 = vector.shape_cast %mul3A_647 : vector<16xf32> to vector<16xf32>
      tpu.vector_store %arg7[%swap3A_648], %swap3A_651 {strides = array<i32>} : memref<12288xf32, #tpu.memory_space<vmem>>, vector<16xf32>,
      %get3A_652 = arith.constant 4 : i32
      %get3A_653 = arith.index_cast %get3A_652 : i32 to index
      %get3A_654 = arith.index_cast %mul3A_557 : i32 to index
      %get3A_655 = tpu.vector_load %arg5[%get3A_653, %get3A_654] {strides = array<i32>} : memref<8x4096xf32, #tpu.memory_space<vmem>>, vector<1x16xf32>,
      %get3A_656 = vector.shape_cast %get3A_655 : vector<1x16xf32> to vector<16xf32>
      %mul3A_657 = arith.mulf %get3A_656, %div3A_616 : vector<16xf32>
      %mul3A_658 = arith.constant 16 : i32
      %mul3A_659 = arith.muli %scan3A_555, %mul3A_658 : i32
      %add3A_660 = arith.constant 4096 : i32
      %add3A_661 = arith.addi %add3A_660, %mul3A_659 : i32
      %swap3A_662 = arith.index_cast %add3A_661 : i32 to index
      %swap3A_663 = tpu.vector_load %arg7[%swap3A_662] {strides = array<i32>} : memref<12288xf32, #tpu.memory_space<vmem>>, vector<16xf32>,
      %swap3A_664 = vector.shape_cast %swap3A_663 : vector<16xf32> to vector<16xf32>
      %swap3A_665 = vector.shape_cast %mul3A_657 : vector<16xf32> to vector<16xf32>
      tpu.vector_store %arg7[%swap3A_662], %swap3A_665 {strides = array<i32>} : memref<12288xf32, #tpu.memory_space<vmem>>, vector<16xf32>,
      %get3A_666 = arith.constant 5 : i32
      %get3A_667 = arith.index_cast %get3A_666 : i32 to index
      %get3A_668 = arith.index_cast %mul3A_557 : i32 to index
      %get3A_669 = tpu.vector_load %arg5[%get3A_667, %get3A_668] {strides = array<i32>} : memref<8x4096xf32, #tpu.memory_space<vmem>>, vector<1x16xf32>,
      %get3A_670 = vector.shape_cast %get3A_669 : vector<1x16xf32> to vector<16xf32>
      %mul3A_671 = arith.mulf %get3A_670, %div3A_616 : vector<16xf32>
      %mul3A_672 = arith.constant 16 : i32
      %mul3A_673 = arith.muli %scan3A_555, %mul3A_672 : i32
      %add3A_674 = arith.constant 8192 : i32
      %add3A_675 = arith.addi %add3A_674, %mul3A_673 : i32
      %swap3A_676 = arith.index_cast %add3A_675 : i32 to index
      %swap3A_677 = tpu.vector_load %arg7[%swap3A_676] {strides = array<i32>} : memref<12288xf32, #tpu.memory_space<vmem>>, vector<16xf32>,
      %swap3A_678 = vector.shape_cast %swap3A_677 : vector<16xf32> to vector<16xf32>
      %swap3A_679 = vector.shape_cast %mul3A_671 : vector<16xf32> to vector<16xf32>
      tpu.vector_store %arg7[%swap3A_676], %swap3A_679 {strides = array<i32>} : memref<12288xf32, #tpu.memory_space<vmem>>, vector<16xf32>,
    }
    %scan3A_509 = arith.constant 256 : i32
    "tpu.region"() ({
      %run_scoped3A = tpu.sem_alloc : memref<!tpu.dma_semaphore, #tpu.memory_space<semaphore_mem>>
      %dma_start3A_555 = arith.constant 0 : i32
      %dma_start3A_556 = tpu.memref_slice %arg9[%dma_start3A_555] : memref<786432xf32, #tpu.memory_space<vmem_shared>> -> memref<786432xf32, #tpu.memory_space<vmem_shared>>
      tpu.enqueue_indirect_dma source(%arg7 : memref<12288xf32, #tpu.memory_space<vmem>>) target(%dma_start3A_556 : memref<786432xf32, #tpu.memory_space<vmem_shared>>) offsets(%arg6 : memref<12288xi32, #tpu.memory_space<vmem>>) semaphore(%run_scoped3A : memref<!tpu.dma_semaphore, #tpu.memory_space<semaphore_mem>>) {add = true}
      %dma_wait3A_557 = arith.constant 0 : i32
      %dma_wait3A_558 = tpu.memref_slice %arg9[%dma_wait3A_557] : memref<786432xf32, #tpu.memory_space<vmem_shared>> -> memref<786432xf32, #tpu.memory_space<vmem_shared>>
      tpu.wait_indirect_dma semaphore(%run_scoped3A : memref<!tpu.dma_semaphore, #tpu.memory_space<semaphore_mem>>) src(%arg7 : memref<12288xf32, #tpu.memory_space<vmem>>) dst(%dma_wait3A_558 : memref<786432xf32, #tpu.memory_space<vmem_shared>>)
      tpu.yield
    }) : () -> ()
    %barrier3A_510 = arith.constant 0 : index
    tpu.barrier barrier_id(%barrier3A_510)
    %mul3A_511 = arith.constant 786432 : i32
    %mul3A_512 = arith.muli %add3A_278, %mul3A_511 : i32
    %add3A_513 = arith.addi %mul3A_512, %mul3A_0 : i32
    %add3A_514 = arith.constant 0 : i32
    %add3A_515 = arith.addi %mul3A_0, %add3A_514 : i32
    "tpu.region"() ({
      %run_scoped3A = tpu.sem_alloc : memref<!tpu.dma_semaphore, #tpu.memory_space<semaphore_mem>>
      %dma_start3A_555 = tpu.memref_slice %arg9[%add3A_515] : memref<786432xf32, #tpu.memory_space<vmem_shared>> -> memref<12288xf32, #tpu.memory_space<vmem_shared>>
      %dma_start3A_556 = tpu.memref_slice %arg9[%add3A_515] : memref<786432xf32, #tpu.memory_space<vmem_shared>> -> memref<12288xf32, #tpu.memory_space<vmem_shared>>
      tpu.enqueue_dma source(%dma_start3A_556 : memref<12288xf32, #tpu.memory_space<vmem_shared>>) target(%arg8 : memref<12288xf32, #tpu.memory_space<vmem>>) target_semaphore(%run_scoped3A : memref<!tpu.dma_semaphore, #tpu.memory_space<semaphore_mem>>)
      %dma_wait3A_557 = tpu.memref_slice %arg9[%add3A_515] : memref<786432xf32, #tpu.memory_space<vmem_shared>> -> memref<12288xf32, #tpu.memory_space<vmem_shared>>
      %dma_wait3A_558 = tpu.memref_slice %arg9[%add3A_515] : memref<786432xf32, #tpu.memory_space<vmem_shared>> -> memref<12288xf32, #tpu.memory_space<vmem_shared>>
      tpu.wait_dma2 semaphore(%run_scoped3A : memref<!tpu.dma_semaphore, #tpu.memory_space<semaphore_mem>>) src(%dma_wait3A_558 : memref<12288xf32, #tpu.memory_space<vmem_shared>>) dst(%arg8 : memref<12288xf32, #tpu.memory_space<vmem>>)
      tpu.yield
    }) : () -> ()
    %scan3A_516 = arith.constant 0 : i32
    %scan3A_517 = arith.constant 0 : i32
    %scan3A_518 = arith.constant 768 : i32
    %scan3A_519 = arith.addi %scan3A_517, %scan3A_518 : i32
    %scan3A_520 = arith.constant 1 : i32
    scf.for %scan3A_555 = %scan3A_517 to %scan3A_519 step %scan3A_520  : i32 {
      %mul3A_556 = arith.constant 16 : i32
      %mul3A_557 = arith.muli %scan3A_555, %mul3A_556 : i32
      %get3A = arith.index_cast %mul3A_557 : i32 to index
      %get3A_558 = tpu.vector_load %arg8[%get3A] {strides = array<i32>} : memref<12288xf32, #tpu.memory_space<vmem>>, vector<16xf32>,
      %get3A_559 = vector.shape_cast %get3A_558 : vector<16xf32> to vector<16xf32>
      %jit3A = arith.constant 0.000000e+00 : f32
      %jit3A_560 = arith.constant 1.000000e+00 : f32
      %max3A = vector.broadcast %jit3A : f32 to vector<16xf32>
      %max3A_561 = arith.maximumf %max3A, %get3A_559 : vector<16xf32>
      %min3A = vector.broadcast %jit3A_560 : f32 to vector<16xf32>
      %min3A_562 = arith.minimumf %min3A, %max3A_561 : vector<16xf32>
      %swap3A = arith.index_cast %mul3A_557 : i32 to index
      %swap3A_563 = tpu.vector_load %arg8[%swap3A] {strides = array<i32>} : memref<12288xf32, #tpu.memory_space<vmem>>, vector<16xf32>,
      %swap3A_564 = vector.shape_cast %swap3A_563 : vector<16xf32> to vector<16xf32>
      %swap3A_565 = vector.shape_cast %min3A_562 : vector<16xf32> to vector<16xf32>
      tpu.vector_store %arg8[%swap3A], %swap3A_565 {strides = array<i32>} : memref<12288xf32, #tpu.memory_space<vmem>>, vector<16xf32>,
    }
    %scan3A_521 = arith.constant 768 : i32
    %add3A_522 = arith.constant 0 : i32
    %add3A_523 = arith.addi %add3A_513, %add3A_522 : i32
    "tpu.region"() ({
      %run_scoped3A = tpu.sem_alloc : memref<!tpu.dma_semaphore, #tpu.memory_space<semaphore_mem>>
      %dma_start3A_555 = tpu.memref_slice %arg4[%add3A_523] : memref<3145728xf32, #tpu.memory_space<hbm>> -> memref<12288xf32, #tpu.memory_space<hbm>>
      %dma_start3A_556 = tpu.memref_slice %arg4[%add3A_523] : memref<3145728xf32, #tpu.memory_space<hbm>> -> memref<12288xf32, #tpu.memory_space<hbm>>
      tpu.enqueue_dma source(%arg8 : memref<12288xf32, #tpu.memory_space<vmem>>) target(%dma_start3A_556 : memref<12288xf32, #tpu.memory_space<hbm>>) target_semaphore(%run_scoped3A : memref<!tpu.dma_semaphore, #tpu.memory_space<semaphore_mem>>)
      %dma_wait3A_557 = tpu.memref_slice %arg4[%add3A_523] : memref<3145728xf32, #tpu.memory_space<hbm>> -> memref<12288xf32, #tpu.memory_space<hbm>>
      %dma_wait3A_558 = tpu.memref_slice %arg4[%add3A_523] : memref<3145728xf32, #tpu.memory_space<hbm>> -> memref<12288xf32, #tpu.memory_space<hbm>>
      tpu.wait_dma2 semaphore(%run_scoped3A : memref<!tpu.dma_semaphore, #tpu.memory_space<semaphore_mem>>) src(%arg8 : memref<12288xf32, #tpu.memory_space<vmem>>) dst(%dma_wait3A_558 : memref<12288xf32, #tpu.memory_space<hbm>>)
      tpu.yield
    }) : () -> ()
    %add3A_524 = arith.constant 12288 : i32
    %add3A_525 = arith.addi %mul3A_0, %add3A_524 : i32
    "tpu.region"() ({
      %run_scoped3A = tpu.sem_alloc : memref<!tpu.dma_semaphore, #tpu.memory_space<semaphore_mem>>
      %dma_start3A_555 = tpu.memref_slice %arg9[%add3A_525] : memref<786432xf32, #tpu.memory_space<vmem_shared>> -> memref<12288xf32, #tpu.memory_space<vmem_shared>>
      %dma_start3A_556 = tpu.memref_slice %arg9[%add3A_525] : memref<786432xf32, #tpu.memory_space<vmem_shared>> -> memref<12288xf32, #tpu.memory_space<vmem_shared>>
      tpu.enqueue_dma source(%dma_start3A_556 : memref<12288xf32, #tpu.memory_space<vmem_shared>>) target(%arg8 : memref<12288xf32, #tpu.memory_space<vmem>>) target_semaphore(%run_scoped3A : memref<!tpu.dma_semaphore, #tpu.memory_space<semaphore_mem>>)
      %dma_wait3A_557 = tpu.memref_slice %arg9[%add3A_525] : memref<786432xf32, #tpu.memory_space<vmem_shared>> -> memref<12288xf32, #tpu.memory_space<vmem_shared>>
      %dma_wait3A_558 = tpu.memref_slice %arg9[%add3A_525] : memref<786432xf32, #tpu.memory_space<vmem_shared>> -> memref<12288xf32, #tpu.memory_space<vmem_shared>>
      tpu.wait_dma2 semaphore(%run_scoped3A : memref<!tpu.dma_semaphore, #tpu.memory_space<semaphore_mem>>) src(%dma_wait3A_558 : memref<12288xf32, #tpu.memory_space<vmem_shared>>) dst(%arg8 : memref<12288xf32, #tpu.memory_space<vmem>>)
      tpu.yield
    }) : () -> ()
    %scan3A_526 = arith.constant 0 : i32
    %scan3A_527 = arith.constant 0 : i32
    %scan3A_528 = arith.constant 768 : i32
    %scan3A_529 = arith.addi %scan3A_527, %scan3A_528 : i32
    %scan3A_530 = arith.constant 1 : i32
    scf.for %scan3A_555 = %scan3A_527 to %scan3A_529 step %scan3A_530  : i32 {
      %mul3A_556 = arith.constant 16 : i32
      %mul3A_557 = arith.muli %scan3A_555, %mul3A_556 : i32
      %get3A = arith.index_cast %mul3A_557 : i32 to index
      %get3A_558 = tpu.vector_load %arg8[%get3A] {strides = array<i32>} : memref<12288xf32, #tpu.memory_space<vmem>>, vector<16xf32>,
      %get3A_559 = vector.shape_cast %get3A_558 : vector<16xf32> to vector<16xf32>
      %jit3A = arith.constant 0.000000e+00 : f32
      %jit3A_560 = arith.constant 1.000000e+00 : f32
      %max3A = vector.broadcast %jit3A : f32 to vector<16xf32>
      %max3A_561 = arith.maximumf %max3A, %get3A_559 : vector<16xf32>
      %min3A = vector.broadcast %jit3A_560 : f32 to vector<16xf32>
      %min3A_562 = arith.minimumf %min3A, %max3A_561 : vector<16xf32>
      %swap3A = arith.index_cast %mul3A_557 : i32 to index
      %swap3A_563 = tpu.vector_load %arg8[%swap3A] {strides = array<i32>} : memref<12288xf32, #tpu.memory_space<vmem>>, vector<16xf32>,
      %swap3A_564 = vector.shape_cast %swap3A_563 : vector<16xf32> to vector<16xf32>
      %swap3A_565 = vector.shape_cast %min3A_562 : vector<16xf32> to vector<16xf32>
      tpu.vector_store %arg8[%swap3A], %swap3A_565 {strides = array<i32>} : memref<12288xf32, #tpu.memory_space<vmem>>, vector<16xf32>,
    }
    %scan3A_531 = arith.constant 768 : i32
    %add3A_532 = arith.constant 12288 : i32
    %add3A_533 = arith.addi %add3A_513, %add3A_532 : i32
    "tpu.region"() ({
      %run_scoped3A = tpu.sem_alloc : memref<!tpu.dma_semaphore, #tpu.memory_space<semaphore_mem>>
      %dma_start3A_555 = tpu.memref_slice %arg4[%add3A_533] : memref<3145728xf32, #tpu.memory_space<hbm>> -> memref<12288xf32, #tpu.memory_space<hbm>>
      %dma_start3A_556 = tpu.memref_slice %arg4[%add3A_533] : memref<3145728xf32, #tpu.memory_space<hbm>> -> memref<12288xf32, #tpu.memory_space<hbm>>
      tpu.enqueue_dma source(%arg8 : memref<12288xf32, #tpu.memory_space<vmem>>) target(%dma_start3A_556 : memref<12288xf32, #tpu.memory_space<hbm>>) target_semaphore(%run_scoped3A : memref<!tpu.dma_semaphore, #tpu.memory_space<semaphore_mem>>)
      %dma_wait3A_557 = tpu.memref_slice %arg4[%add3A_533] : memref<3145728xf32, #tpu.memory_space<hbm>> -> memref<12288xf32, #tpu.memory_space<hbm>>
      %dma_wait3A_558 = tpu.memref_slice %arg4[%add3A_533] : memref<3145728xf32, #tpu.memory_space<hbm>> -> memref<12288xf32, #tpu.memory_space<hbm>>
      tpu.wait_dma2 semaphore(%run_scoped3A : memref<!tpu.dma_semaphore, #tpu.memory_space<semaphore_mem>>) src(%arg8 : memref<12288xf32, #tpu.memory_space<vmem>>) dst(%dma_wait3A_558 : memref<12288xf32, #tpu.memory_space<hbm>>)
      tpu.yield
    }) : () -> ()
    %add3A_534 = arith.constant 24576 : i32
    %add3A_535 = arith.addi %mul3A_0, %add3A_534 : i32
    "tpu.region"() ({
      %run_scoped3A = tpu.sem_alloc : memref<!tpu.dma_semaphore, #tpu.memory_space<semaphore_mem>>
      %dma_start3A_555 = tpu.memref_slice %arg9[%add3A_535] : memref<786432xf32, #tpu.memory_space<vmem_shared>> -> memref<12288xf32, #tpu.memory_space<vmem_shared>>
      %dma_start3A_556 = tpu.memref_slice %arg9[%add3A_535] : memref<786432xf32, #tpu.memory_space<vmem_shared>> -> memref<12288xf32, #tpu.memory_space<vmem_shared>>
      tpu.enqueue_dma source(%dma_start3A_556 : memref<12288xf32, #tpu.memory_space<vmem_shared>>) target(%arg8 : memref<12288xf32, #tpu.memory_space<vmem>>) target_semaphore(%run_scoped3A : memref<!tpu.dma_semaphore, #tpu.memory_space<semaphore_mem>>)
      %dma_wait3A_557 = tpu.memref_slice %arg9[%add3A_535] : memref<786432xf32, #tpu.memory_space<vmem_shared>> -> memref<12288xf32, #tpu.memory_space<vmem_shared>>
      %dma_wait3A_558 = tpu.memref_slice %arg9[%add3A_535] : memref<786432xf32, #tpu.memory_space<vmem_shared>> -> memref<12288xf32, #tpu.memory_space<vmem_shared>>
      tpu.wait_dma2 semaphore(%run_scoped3A : memref<!tpu.dma_semaphore, #tpu.memory_space<semaphore_mem>>) src(%dma_wait3A_558 : memref<12288xf32, #tpu.memory_space<vmem_shared>>) dst(%arg8 : memref<12288xf32, #tpu.memory_space<vmem>>)
      tpu.yield
    }) : () -> ()
    %scan3A_536 = arith.constant 0 : i32
    %scan3A_537 = arith.constant 0 : i32
    %scan3A_538 = arith.constant 768 : i32
    %scan3A_539 = arith.addi %scan3A_537, %scan3A_538 : i32
    %scan3A_540 = arith.constant 1 : i32
    scf.for %scan3A_555 = %scan3A_537 to %scan3A_539 step %scan3A_540  : i32 {
      %mul3A_556 = arith.constant 16 : i32
      %mul3A_557 = arith.muli %scan3A_555, %mul3A_556 : i32
      %get3A = arith.index_cast %mul3A_557 : i32 to index
      %get3A_558 = tpu.vector_load %arg8[%get3A] {strides = array<i32>} : memref<12288xf32, #tpu.memory_space<vmem>>, vector<16xf32>,
      %get3A_559 = vector.shape_cast %get3A_558 : vector<16xf32> to vector<16xf32>
      %jit3A = arith.constant 0.000000e+00 : f32
      %jit3A_560 = arith.constant 1.000000e+00 : f32
      %max3A = vector.broadcast %jit3A : f32 to vector<16xf32>
      %max3A_561 = arith.maximumf %max3A, %get3A_559 : vector<16xf32>
      %min3A = vector.broadcast %jit3A_560 : f32 to vector<16xf32>
      %min3A_562 = arith.minimumf %min3A, %max3A_561 : vector<16xf32>
      %swap3A = arith.index_cast %mul3A_557 : i32 to index
      %swap3A_563 = tpu.vector_load %arg8[%swap3A] {strides = array<i32>} : memref<12288xf32, #tpu.memory_space<vmem>>, vector<16xf32>,
      %swap3A_564 = vector.shape_cast %swap3A_563 : vector<16xf32> to vector<16xf32>
      %swap3A_565 = vector.shape_cast %min3A_562 : vector<16xf32> to vector<16xf32>
      tpu.vector_store %arg8[%swap3A], %swap3A_565 {strides = array<i32>} : memref<12288xf32, #tpu.memory_space<vmem>>, vector<16xf32>,
    }
    %scan3A_541 = arith.constant 768 : i32
    %add3A_542 = arith.constant 24576 : i32
    %add3A_543 = arith.addi %add3A_513, %add3A_542 : i32
    "tpu.region"() ({
      %run_scoped3A = tpu.sem_alloc : memref<!tpu.dma_semaphore, #tpu.memory_space<semaphore_mem>>
      %dma_start3A_555 = tpu.memref_slice %arg4[%add3A_543] : memref<3145728xf32, #tpu.memory_space<hbm>> -> memref<12288xf32, #tpu.memory_space<hbm>>
      %dma_start3A_556 = tpu.memref_slice %arg4[%add3A_543] : memref<3145728xf32, #tpu.memory_space<hbm>> -> memref<12288xf32, #tpu.memory_space<hbm>>
      tpu.enqueue_dma source(%arg8 : memref<12288xf32, #tpu.memory_space<vmem>>) target(%dma_start3A_556 : memref<12288xf32, #tpu.memory_space<hbm>>) target_semaphore(%run_scoped3A : memref<!tpu.dma_semaphore, #tpu.memory_space<semaphore_mem>>)
      %dma_wait3A_557 = tpu.memref_slice %arg4[%add3A_543] : memref<3145728xf32, #tpu.memory_space<hbm>> -> memref<12288xf32, #tpu.memory_space<hbm>>
      %dma_wait3A_558 = tpu.memref_slice %arg4[%add3A_543] : memref<3145728xf32, #tpu.memory_space<hbm>> -> memref<12288xf32, #tpu.memory_space<hbm>>
      tpu.wait_dma2 semaphore(%run_scoped3A : memref<!tpu.dma_semaphore, #tpu.memory_space<semaphore_mem>>) src(%arg8 : memref<12288xf32, #tpu.memory_space<vmem>>) dst(%dma_wait3A_558 : memref<12288xf32, #tpu.memory_space<hbm>>)
      tpu.yield
    }) : () -> ()
    %add3A_544 = arith.constant 36864 : i32
    %add3A_545 = arith.addi %mul3A_0, %add3A_544 : i32
    "tpu.region"() ({
      %run_scoped3A = tpu.sem_alloc : memref<!tpu.dma_semaphore, #tpu.memory_space<semaphore_mem>>
      %dma_start3A_555 = tpu.memref_slice %arg9[%add3A_545] : memref<786432xf32, #tpu.memory_space<vmem_shared>> -> memref<12288xf32, #tpu.memory_space<vmem_shared>>
      %dma_start3A_556 = tpu.memref_slice %arg9[%add3A_545] : memref<786432xf32, #tpu.memory_space<vmem_shared>> -> memref<12288xf32, #tpu.memory_space<vmem_shared>>
      tpu.enqueue_dma source(%dma_start3A_556 : memref<12288xf32, #tpu.memory_space<vmem_shared>>) target(%arg8 : memref<12288xf32, #tpu.memory_space<vmem>>) target_semaphore(%run_scoped3A : memref<!tpu.dma_semaphore, #tpu.memory_space<semaphore_mem>>)
      %dma_wait3A_557 = tpu.memref_slice %arg9[%add3A_545] : memref<786432xf32, #tpu.memory_space<vmem_shared>> -> memref<12288xf32, #tpu.memory_space<vmem_shared>>
      %dma_wait3A_558 = tpu.memref_slice %arg9[%add3A_545] : memref<786432xf32, #tpu.memory_space<vmem_shared>> -> memref<12288xf32, #tpu.memory_space<vmem_shared>>
      tpu.wait_dma2 semaphore(%run_scoped3A : memref<!tpu.dma_semaphore, #tpu.memory_space<semaphore_mem>>) src(%dma_wait3A_558 : memref<12288xf32, #tpu.memory_space<vmem_shared>>) dst(%arg8 : memref<12288xf32, #tpu.memory_space<vmem>>)
      tpu.yield
    }) : () -> ()
    %scan3A_546 = arith.constant 0 : i32
    %scan3A_547 = arith.constant 0 : i32
    %scan3A_548 = arith.constant 768 : i32
    %scan3A_549 = arith.addi %scan3A_547, %scan3A_548 : i32
    %scan3A_550 = arith.constant 1 : i32
    scf.for %scan3A_555 = %scan3A_547 to %scan3A_549 step %scan3A_550  : i32 {
      %mul3A_556 = arith.constant 16 : i32
      %mul3A_557 = arith.muli %scan3A_555, %mul3A_556 : i32
      %get3A = arith.index_cast %mul3A_557 : i32 to index
      %get3A_558 = tpu.vector_load %arg8[%get3A] {strides = array<i32>} : memref<12288xf32, #tpu.memory_space<vmem>>, vector<16xf32>,
      %get3A_559 = vector.shape_cast %get3A_558 : vector<16xf32> to vector<16xf32>
      %jit3A = arith.constant 0.000000e+00 : f32
      %jit3A_560 = arith.constant 1.000000e+00 : f32
      %max3A = vector.broadcast %jit3A : f32 to vector<16xf32>
      %max3A_561 = arith.maximumf %max3A, %get3A_559 : vector<16xf32>
      %min3A = vector.broadcast %jit3A_560 : f32 to vector<16xf32>
      %min3A_562 = arith.minimumf %min3A, %max3A_561 : vector<16xf32>
      %swap3A = arith.index_cast %mul3A_557 : i32 to index
      %swap3A_563 = tpu.vector_load %arg8[%swap3A] {strides = array<i32>} : memref<12288xf32, #tpu.memory_space<vmem>>, vector<16xf32>,
      %swap3A_564 = vector.shape_cast %swap3A_563 : vector<16xf32> to vector<16xf32>
      %swap3A_565 = vector.shape_cast %min3A_562 : vector<16xf32> to vector<16xf32>
      tpu.vector_store %arg8[%swap3A], %swap3A_565 {strides = array<i32>} : memref<12288xf32, #tpu.memory_space<vmem>>, vector<16xf32>,
    }
    %scan3A_551 = arith.constant 768 : i32
    %add3A_552 = arith.constant 36864 : i32
    %add3A_553 = arith.addi %add3A_513, %add3A_552 : i32
    "tpu.region"() ({
      %run_scoped3A = tpu.sem_alloc : memref<!tpu.dma_semaphore, #tpu.memory_space<semaphore_mem>>
      %dma_start3A_555 = tpu.memref_slice %arg4[%add3A_553] : memref<3145728xf32, #tpu.memory_space<hbm>> -> memref<12288xf32, #tpu.memory_space<hbm>>
      %dma_start3A_556 = tpu.memref_slice %arg4[%add3A_553] : memref<3145728xf32, #tpu.memory_space<hbm>> -> memref<12288xf32, #tpu.memory_space<hbm>>
      tpu.enqueue_dma source(%arg8 : memref<12288xf32, #tpu.memory_space<vmem>>) target(%dma_start3A_556 : memref<12288xf32, #tpu.memory_space<hbm>>) target_semaphore(%run_scoped3A : memref<!tpu.dma_semaphore, #tpu.memory_space<semaphore_mem>>)
      %dma_wait3A_557 = tpu.memref_slice %arg4[%add3A_553] : memref<3145728xf32, #tpu.memory_space<hbm>> -> memref<12288xf32, #tpu.memory_space<hbm>>
      %dma_wait3A_558 = tpu.memref_slice %arg4[%add3A_553] : memref<3145728xf32, #tpu.memory_space<hbm>> -> memref<12288xf32, #tpu.memory_space<hbm>>
      tpu.wait_dma2 semaphore(%run_scoped3A : memref<!tpu.dma_semaphore, #tpu.memory_space<semaphore_mem>>) src(%arg8 : memref<12288xf32, #tpu.memory_space<vmem>>) dst(%dma_wait3A_558 : memref<12288xf32, #tpu.memory_space<hbm>>)
      tpu.yield
    }) : () -> ()
    %barrier3A_554 = arith.constant 0 : index
    tpu.barrier barrier_id(%barrier3A_554)
    return
  }
}

</mosaic_0001>

<sc_bundles>
// kernel: kernel.3.cloned.1.call-start
scs
__scs_entry_jumppad:
0x0: {  	(pc) =	sbr.rel $0x88, $3  }
0x1: {  	(tag) =	ssettag $0x0;
	lr =	simm.s32 $0x1  }
0x2: {  	[smem:$0x3F9F] =	sst lr;
	_ =	strace $0xD0000000  }
0x3: {  	_ = 	snop  }
0x4: {  	_ = 	snop  }
0x5: {  	_ = 	snop  }
0x6: {  	_ = 	snop  }
0x7: {  	_ = 	snop  }
__scs_overlays_trampoline_lowered:
0x8: {  	[smem:$0x3FAE] =	sst s0  }
0x9: {  	[smem:$0x3FAF] =	sst s1  }
0xa: {  	[smem:$0x3FB0] =	sst s2  }
0xb: {  	[smem:$0x3FB1] =	sst s3  }
0xc: {  	[smem:$0x3FB2] =	sst s4  }
0xd: {  	[smem:$0x3FB3] =	sst s5  }
0xe: {  	[smem:$0x3FB4] =	sst s6  }
0xf: {  	[smem:$0x3FB5] =	sst s7  }
0x10: {  	[smem:$0x3FB6] =	sst s8  }
0x11: {  	[smem:$0x3FB7] =	sst s9;
	s0 =	simm.s32 @!p0 $0x0  }
0x12: {  	s1 =	sld [smem:$0x3F9D];
	s0 =	simm.s32 @p0 $0x1  }
0x13: {  	[smem:$0x3FB8] =	sst s0;
	s0 =	simm.s32 @!p1 $0x0  }
0x14: {  	s2 =	sld [smem:$0x3F9C];
	s0 =	simm.s32 @p1 $0x1  }
0x15: {  	[smem:$0x3FB9] =	sst s0;
	s0 =	simm.s32 @!p2 $0x0  }
0x16: {  	s3 =	sld [smem:$0x3FDB];
	s0 =	simm.s32 @p2 $0x1  }
0x17: {  	s4 =	simm.s32 $0x1BF5;
	[smem:$0x3FBB] =	sst s0  }
0x18: {  	s0 =	sld [smem:$0x3F9E];
	_ =	swait.ge [sflag:s4], $0x0  }
0x19: {  	s7 =	sld [smem:$0x3F9F]  }
0x1a: {  	s8 =	sadd.s32 $0xFFFFE003, lr  }
0x1b: {  	s9 =	sadd.s32 $0xFFFFFEF7, lr;
	s5 =	simm.s32 $0xFFFFFFFF;
	p2 =	slt.u32 s8, $0xFFFFF086  }
0x1c: {  	p1 =	slt.u32 s9, $0xF7A;
	s5 =	simm.s32 @!p2 $0x0  }
0x1d: {  	s5 =	simm.s32 @p1 $0x1;
	p0 =	seq.s32 s7, s2  }
0x1e: {  	s7 =	smul.u32 @!p0 $0xF7A, s2;
	p2 =	seq.s32 @!p0 s5, $0x0  }
0x1f: {  	s9 =	smul.u32 $0xF7A, s1;
	s8 =	simm.s32 @!p0 $0x1BF5;
	p2 =	por !p2, p0  }
0x20: {  	[sflag:s8] =	ssyncset.s32 @!p0 $0xFFFFF086;
	s6 =	sadd.s32 @!p0 s3, s7;
	s7 =	simm.s32 @!p0 $0x108  }
0x21: {  	s3 =	sadd.s32 s3, s9;
	s6 =	sadd.s32 @!p0 $0x88, s6;
	s7 =	simm.s32 @p2 $0x1082  }
0x22: {  	[simem:s7], [sflag:s8] =	dma.local @!p0 [hbm:s6], $0xF7A  }
0x23: {  	s9 =	sor.u32 $0xD0000000, s2;
	s6 =	simm.s32 $0x108;
	_ =	swait.ge @!p0 [sflag:s8], $0x0  }
0x24: {  	s3 =	sadd.s32 $0x88, s3;
	s6 =	simm.s32 @!p1 $0x1082;
	[sflag:s4] =	ssyncset.s32 $0xFFFFF086  }
0x25: {  	[simem:s6], [sflag:s4] =	dma.local [hbm:s3], $0xF7A  }
0x26: {  	[smem:$0x3F9F] =	sst s1;
	(tag) =	ssettag s2;
	_ =	strace s9  }
0x27: {  	s1 =	sld [smem:$0x3FAF]  }
0x28: {  	s2 =	sld [smem:$0x3FB0]  }
0x29: {  	s4 =	sld [smem:$0x3FB2]  }
0x2a: {  	p0 =	seq.s32 s5, $0x0;
	s5 =	sld [smem:$0x3FB3]  }
0x2b: {  	s6 =	sld [smem:$0x3FB4]  }
0x2c: {  	s7 =	sld [smem:$0x3FB5]  }
0x2d: {  	s3 =	simm.s32 $0x108;
	s8 =	sld [smem:$0x3FB6]  }
0x2e: {  	s3 =	simm.s32 @!p0 $0x1082;
	s9 =	sld [smem:$0x3FB7]  }
0x2f: {  	lr =	sadd.s32 s0, s3;
	s0 =	sld [smem:$0x3FAE]  }
0x30: {  	s3 =	sld [smem:$0x3FB1]  }
0x31: {  	[smem:$0x3FBA] =	sst s10  }
0x32: {  	s10 =	sld [smem:$0x3FB8];
	_ =	sdelay $0x3  }
0x33: {  	p0 =	seq.s32 s10, $0x1;
	s10 =	sld [smem:$0x3FBA];
	_ =	sdelay $0x3  }
0x34: {  	[smem:$0x3FBA] =	sst s10  }
0x35: {  	s10 =	sld [smem:$0x3FB9];
	_ =	sdelay $0x3  }
0x36: {  	p1 =	seq.s32 s10, $0x1;
	s10 =	sld [smem:$0x3FBA];
	_ =	sdelay $0x3  }
0x37: {  	[smem:$0x3FBA] =	sst s10  }
0x38: {  	s10 =	sld [smem:$0x3FBB]  }
0x39: {  	_ = 	snop;
	(pc) =	sbr.ind lr, $3  }
0x3a: {  	_ = 	snop  }
0x3b: {  	_ = 	snop  }
0x3c: {  	p2 =	seq.s32 s10, $0x1;
	s10 =	sld [smem:$0x3FBA]  }
0x3d: {  	_ =	shalt  }
0x3e: {  	_ =	shalt  }
0x3f: {  	_ =	shalt  }
0x40: {  	_ =	shalt  }
0x41: {  	_ =	shalt  }
0x42: {  	_ =	shalt  }
0x43: {  	_ =	shalt  }
0x44: {  	_ =	shalt  }
0x45: {  	_ =	shalt  }
0x46: {  	_ =	shalt  }
0x47: {  	_ =	shalt  }
0x48: {  	_ =	shalt  }
0x49: {  	_ =	shalt  }
0x4a: {  	_ =	shalt  }
0x4b: {  	_ =	shalt  }
0x4c: {  	_ =	shalt  }
0x4d: {  	_ =	shalt  }
0x4e: {  	_ =	shalt  }
0x4f: {  	_ =	shalt  }
0x50: {  	_ =	shalt  }
0x51: {  	_ =	shalt  }
0x52: {  	_ =	shalt  }
0x53: {  	_ =	shalt  }
0x54: {  	_ =	shalt  }
0x55: {  	_ =	shalt  }
0x56: {  	_ =	shalt  }
0x57: {  	_ =	shalt  }
0x58: {  	_ =	shalt  }
0x59: {  	_ =	shalt  }
0x5a: {  	_ =	shalt  }
0x5b: {  	_ =	shalt  }
0x5c: {  	_ =	shalt  }
0x5d: {  	_ =	shalt  }
0x5e: {  	_ =	shalt  }
0x5f: {  	_ =	shalt  }
0x60: {  	_ =	shalt  }
0x61: {  	_ =	shalt  }
0x62: {  	_ =	shalt  }
0x63: {  	_ =	shalt  }
0x64: {  	_ =	shalt  }
0x65: {  	_ =	shalt  }
0x66: {  	_ =	shalt  }
0x67: {  	_ =	shalt  }
0x68: {  	_ =	shalt  }
0x69: {  	_ =	shalt  }
0x6a: {  	_ =	shalt  }
0x6b: {  	_ =	shalt  }
0x6c: {  	_ =	shalt  }
0x6d: {  	_ =	shalt  }
0x6e: {  	_ =	shalt  }
0x6f: {  	_ =	shalt  }
0x70: {  	_ =	shalt  }
0x71: {  	_ =	shalt  }
0x72: {  	_ =	shalt  }
0x73: {  	_ =	shalt  }
0x74: {  	_ =	shalt  }
0x75: {  	_ =	shalt  }
0x76: {  	_ =	shalt  }
0x77: {  	_ =	shalt  }
0x78: {  	_ =	shalt  }
0x79: {  	_ =	shalt  }
0x7a: {  	_ =	shalt  }
0x7b: {  	_ =	shalt  }
0x7c: {  	_ =	shalt  }
0x7d: {  	_ =	shalt  }
0x7e: {  	_ =	shalt  }
0x7f: {  	_ =	shalt  }
0x80: {  	_ =	shalt  }
0x81: {  	_ =	shalt  }
0x82: {  	_ =	shalt  }
0x83: {  	_ =	shalt  }
0x84: {  	_ =	shalt  }
0x85: {  	_ =	shalt  }
0x86: {  	_ =	shalt  }
0x87: {  	_ =	shalt  }
.Lfunc_end0:
.L_simem_size_0:
called_computation_lowered:
.L_overlay_start_0:
0x88: {  	s2 =	sld [smem:$0x3FD9]  }
0x89: {  	s3 =	sld [smem:$0x3FFE];
	_ =	sdelay $0x1  }
0x8a: {  	s1 =	srdreg.scid  }
0x8b: {  	s0 =	sand.u32 $0x1, s1  }
0x8c: {  	s17 =	sshll.u32 s0, $0xA;
	s2 =	sadd.s32 s3, s2  }
0x8d: {  	s2 =	sadd.s32 s2, s17  }
0x8e: {  	[smem:$0x3FC6] =	sst s2  }
0x8f: {  	_ = 	snop  }
0x90: {  	s2 =	sld [smem:$0x3FD0];
	(tm) =	ssettm $0x1  }
0x91: {  	s18 =	sld [smem:$0x3FFB];
	_ =	sdelay $0x3  }
0x92: {  	_ =	strace s18  }
0x93: {  	s3 =	sld [smem:$0x3FFC];
	_ =	sdelay $0x3  }
0x94: {  	_ =	strace s3  }
0x95: {  	s3 =	sld [smem:$0x3FFD];
	_ =	sdelay $0x3  }
0x96: {  	_ =	strace s3  }
0x97: {  	_ =	strace $0x8FFFFFFF  }
0x98: {  	s19 =	sld [smem:$0x3FDB];
	_ =	sdelay $0x1  }
0x99: {  	s4 =	simm.s32 $_scs_section_size  }
0x9a: {  	s5 =	simm.s32 $_size__tile_overlayer_lowered;
	s6 =	simm.s32 $_tile_overlayer_lowered  }
0x9b: {  	s22 =	simm.s32 $0x1BFF;
	s21 =	sshll.u32 s6, $0x1;
	s3 =	sadd.s32 s4, s19  }
0x9c: {  	s7 =	simm.s32 $0x0;
	s20 =	sshll.u32 s5, $0x1;
	s5 =	sadd.s32 s21, s3  }
0x9d: {  	[timem:s7], [sflag:s22] =	dma.local [hbm:s5], s20  }
0x9e: {  	_ =	swait.ge [sflag:s22], s20  }
0x9f: {  	s4 =	ssub.s32 $0x0, s20;
	[sflag:s22] =	ssyncset.done $0x0  }
0xa0: {  	[sflag:s22] =	ssyncadd.s32 s4;
	_ =	sdelay $0x1  }
0xa1: {  	s23 =	simm.s32 $0x1B8B  }
0xa2: {  	_ =	swait.ge [sflag:s23], $0x1  }
0xa3: {  	[sflag:s23] =	ssyncset.done $0x0  }
0xa4: {  	s25 =	simm.s32 $0x1B8E;
	s24 =	sld [smem:$0x3FFE];
	[sflag:s23] =	ssyncadd.s32 $0xFFFFFFFF  }
0xa5: {  	s26 =	simm.s32 $execute0_lowered;
	[smem:$0x3FD2] =	sst s25  }
0xa6: {  	s5 =	sshll.u32 s26, $0x1;
	_ =	strace $0x80000046;
	[dreg:$0x1] =	wrdreg $0xFFFFFFFF  }
0xa7: {  	s28 =	simm.s32 $_size_execute0_lowered;
	s3 =	sadd.s32 s3, s5;
	[dreg:$0x0] =	wrdreg $0x0  }
0xa8: {  	s5 =	sshll.u32 s28, $0x1;
	[dreg:$0x2] =	wrdreg s3  }
0xa9: {  	[dreg:$0x3] =	wrdreg s5  }
0xaa: {  	[dreg:$0x4] =	wrdreg $0xC0  }
0xab: {  	_ =	task [dreg:s7], $0x5FFFF  }
0xac: {  	[dreg:$0x1] =	wrdreg $0xFFFFFFFF  }
0xad: {  	[dreg:$0x0] =	wrdreg $0x60  }
0xae: {  	[dreg:$0x2] =	wrdreg s24  }
0xaf: {  	[dreg:$0x3] =	wrdreg s2  }
0xb0: {  	[dreg:$0x4] =	wrdreg $0x110000  }
0xb1: {  	[dreg:$0x5] =	wrdreg $0x9  }
0xb2: {  	_ =	task.clear_ibuf [dreg:s7], $0x6FFFF;
	_ =	strace $0x90000046  }
0xb3: {  	s29 =	simm.s32 $0x9;
	_ =	strace $0x80000048  }
0xb4: {  	_ =	swait.ge [sflag:s29], $0x1  }
0xb5: {  	[sflag:s29] =	ssyncadd.s32 $0xFFFFFFFF  }
0xb6: {  	_ =	strace $0x90000048  }
0xb7: {  	_ =	sfence  }
0xb8: {  	s30 =	sld [smem:$0x0];
	_ =	sdelay $0x2  }
0xb9: {  	s31 =	sshll.u32 s1, $0xD;
	s1 =	sshrl.u32 s1, $0x2  }
0xba: {  	s3 =	sand.u32 $0x4000, s31;
	s1 =	sadd.s32 s1, s30  }
0xbb: {  	s0 =	sor.u32 s3, s0;
	s1 =	sshll.u32 s1, $0x11  }
0xbc: {  	s0 =	sor.u32 s1, s0  }
0xbd: {  	s0 =	sadd.s32 $0x8F2B, s0  }
0xbe: {  	[sflag:s0] =	ssyncadd.remote.s32 $0x1  }
0xbf: {  	_ =	sfence.sel $0xFFFF  }
0xc0: {  	[dreg:$0x0] =	wrdreg $0xFFFFFFFF;
	(pc) =	sbr.abs _section_cstart, $3  }
0xc1: {  	[dreg:$0x1] =	wrdreg $0xFFFFFFFF  }
0xc2: {  	_ =	task.clear_ibuf [dreg:s7], $0x2FFFF;
	_ =	strace $0x9FFFFFFF  }
0xc3: {  	(tm) =	ssettm $0x7FFFFFFF  }
tec
execute0_lowered:
.L_overlay_start_1:
0x0: {  	(tag) =	ssettag $0x1  }
0x1: {  	s0 =	rddreg [dreg:$0x0]  }
0x2: {  	s2 =	rddreg [dreg:$0x1]  }
0x3: {  	s26 =	rddreg [dreg:$0x2];
	s1 =	simm.s32 $0x0;
	s3 =	srdreg.scid  }
0x4: {  	s6 =	stileid.u32;
	[smem:$0x7FF] =	sst s1  }
0x5: {  	s9 =	sadd.s32 $0x400, s0;
	s10 =	sand.u32 $0x1, s3;
	s19 =	sadd.s32 $0x80400, s0  }
0x6: {  	s11 =	sshll.u32 s6, $0xF;
	s21 =	smul.u32 $0xC000, s6;
	s16 =	sshll.u32 s6, $0xE  }
0x7: {  	s12 =	sadd.s32 $0x410, s0;
	s13 =	sadd.s32 $0x10420, s0;
	s14 =	sadd.s32 $0x10430, s0  }
0x8: {  	s15 =	sadd.s32 $0x10440, s0;
	s18 =	sadd.s32 $0x10450, s0;
	s28 =	sadd.s32 $0x10, s2  }
0x9: {  	s0 =	sadd.s32 $0x80A00, s0;
	s3 =	ssub.s32 $0x2, s10;
	s5 =	sshll.u32 s10, $0x15  }
0xa: {  	s17 =	sshllo.u32 s10, $0x1;
	s22 =	sshll.u32 s10, $0x13;
	s31 =	smul.u32 $0x180000, s10  }
0xb: {  	s4 =	sshrl.u32 s3, $0x1;
	s30 =	sor.u32 s11, s5;
	s23 =	sshll.u32 s17, $0x14  }
0xc: {  	s22 =	sor.u32 s16, s22;
	s25 =	sshll.u32 s17, $0x12;
	s20 =	ssub.s32 s3, s4  }
0xd: {  	s8 =	sshrl.u32 s30, $0x3;
	s11 =	sor.u32 s11, s23;
	s22 =	sshrl.u32 s22, $0x3  }
0xe: {  	s25 =	sor.u32 s16, s25;
	s23 =	sadd.s32 s21, s31;
	s30 =	smul.u32 $0xC0000, s17  }
0xf: {  	s3 =	sadd.s32 s9, s8;
	s4 =	sadd.s32 s8, s12;
	s5 =	sadd.s32 s8, s13  }
0x10: {  	s6 =	sadd.s32 s8, s14;
	s7 =	sadd.s32 s8, s15;
	s8 =	sadd.s32 s8, s18  }
0x11: {  	s24 =	sshrl.u32 s11, $0x3;
	s16 =	sadd.s32 s22, s28;
	s31 =	sshrl.u32 s23, $0x3  }
0x12: {  	s9 =	sadd.s32 s9, s24;
	s10 =	sadd.s32 s24, s12;
	s11 =	sadd.s32 s24, s13  }
0x13: {  	s12 =	sadd.s32 s24, s14;
	s13 =	sadd.s32 s24, s15;
	s14 =	sadd.s32 s24, s18  }
0x14: {  	s15 =	sadd.s32 s2, s22;
	s18 =	sshrl.u32 s25, $0x3;
	s24 =	sadd.s32 s21, s30  }
0x15: {  	s22 =	sadd.s32 s31, s0;
	s17 =	sadd.s32 s2, s18;
	s2 =	sshrl.u32 s24, $0x3  }
0x16: {  	s23 =	sadd.s32 s19, s31;
	[dreg:$0x5] =	wrdreg s22;
	s0 =	sadd.s32 s2, s0  }
0x17: {  	s25 =	smax.u32 s20, $0x1;
	s24 =	sadd.s32 s21, s26;
	[dreg:$0x7] =	wrdreg s0  }
0x18: {  	s26 =	sadd.s32 $0xC00, s23;
	_ =	strace $0x80000047;
	[dreg:$0x8] =	wrdreg s25  }
0x19: {  	s18 =	sadd.s32 s18, s28;
	[dreg:$0xb] =	wrdreg s26  }
0x1a: {  	s28 =	sadd.s32 $0x1200, s23;
	s19 =	sadd.s32 s19, s2;
	[dreg:$0x4] =	wrdreg s23  }
0x1b: {  	s30 =	sadd.s32 $0xC00, s19;
	[dreg:$0xc] =	wrdreg s28  }
0x1c: {  	[dreg:$0xd] =	wrdreg s30  }
0x1d: {  	s21 =	simm.s32 $0x2;
	s31 =	sadd.s32 $0x1200, s19;
	[dreg:$0x6] =	wrdreg s19  }
0x1e: {  	s20 =	sadd.s32 $0x3000, s24;
	s22 =	sadd.s32 $0x6000, s24;
	[dreg:$0xe] =	wrdreg s31  }
0x1f: {  	s29 =	sadd.s32 $0x9000, s24;
	s0 =	simm.s32 $0xE000;
	[dreg:$0x9] =	wrdreg s20  }
0x20: {  	v0 =	vimm.f32 $0.0e+00;
	s23 =	simm.s32 $0x1;
	s25 =	simm.s32 $0x0;
	[dreg:$0xa] =	wrdreg s22  }
.LBB2_1:
0x21: {  	s2 =	simm.s32 $0x40;
	s19 =	simm.s32 $0x0  }
.LBB2_2:
0x22: {  	p0 =	sne.s32 s2, $0xBFC0;
	[tilespmem:s19+$0xE000] =	vst v0;
	s19 =	smov.u32 s2;
	s2 =	sadd.s32 $0x40, s2  }
.Ltmp0:
0x23: {  	(pc) =	sbr.rel @p0 .LBB2_2-.Ltmp0, $2  }
0x24: {  	_ =	sdelay $0x2  }
0x25: {  	s19 =	sshra.s32 s19, $0x2  }
0x26: {  	[tilespmem:s19+$0xE000] =	vst v0  }
0x27: {  	[spmem:s24] =	stream.linear.scatter [tilespmem:s0], [sflag:$0x2], $0x3000, $0x38;
	[tilespmem:$0x1D000] =	vst v63  }
0x28: {  	_ =	swait.ge [sflag:s21], $0x3000  }
0x29: {  	[sflag:s21] =	ssyncset.done $0x0  }
0x2a: {  	[sflag:s21] =	ssyncadd.s32 $0xFFFFD000  }
0x2b: {  	[spmem:s20] =	stream.linear.scatter [tilespmem:s0], [sflag:$0x2], $0x3000, $0x38;
	[tilespmem:$0x1D000] =	vst v63  }
0x2c: {  	_ =	swait.ge [sflag:s21], $0x3000  }
0x2d: {  	[sflag:s21] =	ssyncset.done $0x0  }
0x2e: {  	[sflag:s21] =	ssyncadd.s32 $0xFFFFD000  }
0x2f: {  	[spmem:s22] =	stream.linear.scatter [tilespmem:s0], [sflag:$0x2], $0x3000, $0x38;
	[tilespmem:$0x1D000] =	vst v63  }
0x30: {  	_ =	swait.ge [sflag:s21], $0x3000  }
0x31: {  	[sflag:s21] =	ssyncset.done $0x0  }
0x32: {  	[sflag:s21] =	ssyncadd.s32 $0xFFFFD000  }
0x33: {  	[spmem:s29] =	stream.linear.scatter [tilespmem:s0], [sflag:$0x2], $0x3000, $0x38;
	[tilespmem:$0x1D000] =	vst v63  }
0x34: {  	_ =	swait.ge [sflag:s21], $0x3000  }
0x35: {  	[sflag:s21] =	ssyncset.done $0x0  }
0x36: {  	s2 =	simm.s32 $0x0;
	s19 =	simm.s32 $0x80;
	[sflag:s21] =	ssyncadd.s32 $0xFFFFD000  }
0x37: {  	s20 =	simm.s32 $0x400;
	s22 =	sadd.s32 $0x0, s3;
	[bflag:$0x0] =	sbarrier.arrive $0xFFFF  }
.LBB2_4:
0x38: {  	[tilespmem:s2], [sflag:$0x1] =	stream.linear.gather [hbm4b:s22+s1], $0x80, $0x38;
	[tilespmem:$0x1D000] =	vst v63  }
0x39: {  	s22 =	smov.u32 s19;
	s2 =	smov.u32 s20;
	p0 =	sne.s32 s19, $0xF80  }
.Ltmp1:
0x3a: {  	s19 =	sadd.s32 $0x80, s19;
	(pc) =	sbr.rel @p0 .LBB2_4-.Ltmp1, $2  }
0x3b: {  	_ =	sdelay $0x2  }
0x3c: {  	s20 =	sadd.s32 $0x400, s20;
	s22 =	sadd.s32 s22, s3  }
0x3d: {  	[tilespmem:s2], [sflag:$0x1] =	stream.linear.gather [hbm4b:s22+s1], $0x80, $0x38;
	[tilespmem:$0x1D000] =	vst v63  }
0x3e: {  	s2 =	simm.s32 $0x80  }
0x3f: {  	s19 =	simm.s32 $0x80;
	s22 =	sadd.s32 $0x0, s4;
	s20 =	simm.s32 $0x480  }
.LBB2_6:
0x40: {  	[tilespmem:s2], [sflag:$0x1] =	stream.linear.gather [hbm4b:s22+s1], $0x80, $0x38;
	[tilespmem:$0x1D000] =	vst v63  }
0x41: {  	s22 =	smov.u32 s19;
	s2 =	smov.u32 s20;
	p0 =	sne.s32 s19, $0xF80  }
.Ltmp2:
0x42: {  	s19 =	sadd.s32 $0x80, s19;
	(pc) =	sbr.rel @p0 .LBB2_6-.Ltmp2, $2  }
0x43: {  	_ =	sdelay $0x2  }
0x44: {  	s20 =	sadd.s32 $0x400, s20;
	s22 =	sadd.s32 s22, s4  }
0x45: {  	[tilespmem:s2], [sflag:$0x1] =	stream.linear.gather [hbm4b:s22+s1], $0x80, $0x38;
	[tilespmem:$0x1D000] =	vst v63  }
0x46: {  	s2 =	simm.s32 $0x100  }
0x47: {  	s19 =	simm.s32 $0x80;
	s22 =	sadd.s32 $0x0, s5;
	s20 =	simm.s32 $0x500  }
.LBB2_8:
0x48: {  	[tilespmem:s2], [sflag:$0x1] =	stream.linear.gather [hbm4b:s22+s1], $0x80, $0x38;
	[tilespmem:$0x1D000] =	vst v63  }
0x49: {  	s22 =	smov.u32 s19;
	s2 =	smov.u32 s20;
	p0 =	sne.s32 s19, $0xF80  }
.Ltmp3:
0x4a: {  	s19 =	sadd.s32 $0x80, s19;
	(pc) =	sbr.rel @p0 .LBB2_8-.Ltmp3, $2  }
0x4b: {  	_ =	sdelay $0x2  }
0x4c: {  	s20 =	sadd.s32 $0x400, s20;
	s22 =	sadd.s32 s22, s5  }
0x4d: {  	[tilespmem:s2], [sflag:$0x1] =	stream.linear.gather [hbm4b:s22+s1], $0x80, $0x38;
	[tilespmem:$0x1D000] =	vst v63  }
0x4e: {  	s2 =	simm.s32 $0x180  }
0x4f: {  	s19 =	simm.s32 $0x80;
	s22 =	sadd.s32 $0x0, s6;
	s20 =	simm.s32 $0x580  }
.LBB2_10:
0x50: {  	[tilespmem:s2], [sflag:$0x1] =	stream.linear.gather [hbm4b:s22+s1], $0x80, $0x38;
	[tilespmem:$0x1D000] =	vst v63  }
0x51: {  	s22 =	smov.u32 s19;
	s2 =	smov.u32 s20;
	p0 =	sne.s32 s19, $0xF80  }
.Ltmp4:
0x52: {  	s19 =	sadd.s32 $0x80, s19;
	(pc) =	sbr.rel @p0 .LBB2_10-.Ltmp4, $2  }
0x53: {  	_ =	sdelay $0x2  }
0x54: {  	s20 =	sadd.s32 $0x400, s20;
	s22 =	sadd.s32 s22, s6  }
0x55: {  	[tilespmem:s2], [sflag:$0x1] =	stream.linear.gather [hbm4b:s22+s1], $0x80, $0x38;
	[tilespmem:$0x1D000] =	vst v63  }
0x56: {  	s2 =	simm.s32 $0x200  }
0x57: {  	s19 =	simm.s32 $0x80;
	s22 =	sadd.s32 $0x0, s7;
	s20 =	simm.s32 $0x600  }
.LBB2_12:
0x58: {  	[tilespmem:s2], [sflag:$0x1] =	stream.linear.gather [hbm4b:s22+s1], $0x80, $0x38;
	[tilespmem:$0x1D000] =	vst v63  }
0x59: {  	s22 =	smov.u32 s19;
	s2 =	smov.u32 s20;
	p0 =	sne.s32 s19, $0xF80  }
.Ltmp5:
0x5a: {  	s19 =	sadd.s32 $0x80, s19;
	(pc) =	sbr.rel @p0 .LBB2_12-.Ltmp5, $2  }
0x5b: {  	_ =	sdelay $0x2  }
0x5c: {  	s20 =	sadd.s32 $0x400, s20;
	s22 =	sadd.s32 s22, s7  }
0x5d: {  	[tilespmem:s2], [sflag:$0x1] =	stream.linear.gather [hbm4b:s22+s1], $0x80, $0x38;
	[tilespmem:$0x1D000] =	vst v63  }
0x5e: {  	s2 =	simm.s32 $0x280  }
0x5f: {  	s19 =	simm.s32 $0x80;
	s22 =	sadd.s32 $0x0, s8;
	s20 =	simm.s32 $0x680  }
.LBB2_14:
0x60: {  	[tilespmem:s2], [sflag:$0x1] =	stream.linear.gather [hbm4b:s22+s1], $0x80, $0x38;
	[tilespmem:$0x1D000] =	vst v63  }
0x61: {  	s22 =	smov.u32 s19;
	s2 =	smov.u32 s20;
	p0 =	sne.s32 s19, $0xF80  }
.Ltmp6:
0x62: {  	s19 =	sadd.s32 $0x80, s19;
	(pc) =	sbr.rel @p0 .LBB2_14-.Ltmp6, $2  }
0x63: {  	_ =	sdelay $0x2  }
0x64: {  	s20 =	sadd.s32 $0x400, s20;
	s22 =	sadd.s32 s22, s8  }
0x65: {  	[tilespmem:s2], [sflag:$0x1] =	stream.linear.gather [hbm4b:s22+s1], $0x80, $0x38;
	[tilespmem:$0x1D000] =	vst v63  }
0x66: {  	s2 =	simm.s32 $0x300  }
0x67: {  	s19 =	simm.s32 $0x40;
	s22 =	sadd.s32 $0x0, s15;
	s20 =	simm.s32 $0x700  }
.LBB2_16:
0x68: {  	[tilespmem:s2], [sflag:$0x1] =	stream.linear.gather [hbm4b:s22+s1], $0x80, $0x38;
	[tilespmem:$0x1D000] =	vst v63  }
0x69: {  	s22 =	smov.u32 s19;
	s2 =	smov.u32 s20;
	p0 =	sne.s32 s19, $0x7C0  }
.Ltmp7:
0x6a: {  	s19 =	sadd.s32 $0x40, s19;
	(pc) =	sbr.rel @p0 .LBB2_16-.Ltmp7, $2  }
0x6b: {  	_ =	sdelay $0x2  }
0x6c: {  	s20 =	sadd.s32 $0x400, s20;
	s22 =	sadd.s32 s22, s15  }
0x6d: {  	[tilespmem:s2], [sflag:$0x1] =	stream.linear.gather [hbm4b:s22+s1], $0x80, $0x38;
	[tilespmem:$0x1D000] =	vst v63  }
0x6e: {  	s2 =	simm.s32 $0x380  }
0x6f: {  	s19 =	simm.s32 $0x40;
	s22 =	sadd.s32 $0x0, s16;
	s20 =	simm.s32 $0x780  }
.LBB2_18:
0x70: {  	[tilespmem:s2], [sflag:$0x1] =	stream.linear.gather [hbm4b:s22+s1], $0x80, $0x38;
	[tilespmem:$0x1D000] =	vst v63  }
0x71: {  	s22 =	smov.u32 s19;
	s2 =	smov.u32 s20;
	p0 =	sne.s32 s19, $0x7C0  }
.Ltmp8:
0x72: {  	s19 =	sadd.s32 $0x40, s19;
	(pc) =	sbr.rel @p0 .LBB2_18-.Ltmp8, $2  }
0x73: {  	_ =	sdelay $0x2  }
0x74: {  	s20 =	sadd.s32 $0x400, s20;
	s22 =	sadd.s32 s22, s16  }
0x75: {  	[tilespmem:s2], [sflag:$0x1] =	stream.linear.gather [hbm4b:s22+s1], $0x80, $0x38;
	[tilespmem:$0x1D000] =	vst v63  }
0x76: {  	_ =	swait.ge [sflag:s23], $0x1000  }
0x77: {  	[sflag:s23] =	ssyncset.done $0x0  }
0x78: {  	[sflag:s23] =	ssyncadd.s32 $0xFFFFF000  }
0x79: {  	_ =	swait.ge [sflag:s23], $0x1000  }
0x7a: {  	[sflag:s23] =	ssyncset.done $0x0  }
0x7b: {  	[sflag:s23] =	ssyncadd.s32 $0xFFFFF000  }
0x7c: {  	_ =	swait.ge [sflag:s23], $0x1000  }
0x7d: {  	[sflag:s23] =	ssyncset.done $0x0  }
0x7e: {  	[sflag:s23] =	ssyncadd.s32 $0xFFFFF000  }
0x7f: {  	_ =	swait.ge [sflag:s23], $0x1000  }
0x80: {  	[sflag:s23] =	ssyncset.done $0x0  }
0x81: {  	[sflag:s23] =	ssyncadd.s32 $0xFFFFF000  }
0x82: {  	_ =	swait.ge [sflag:s23], $0x1000  }
0x83: {  	[sflag:s23] =	ssyncset.done $0x0  }
0x84: {  	[sflag:s23] =	ssyncadd.s32 $0xFFFFF000  }
0x85: {  	_ =	swait.ge [sflag:s23], $0x1000  }
0x86: {  	[sflag:s23] =	ssyncset.done $0x0  }
0x87: {  	[sflag:s23] =	ssyncadd.s32 $0xFFFFF000  }
0x88: {  	_ =	swait.ge [sflag:s23], $0x1000  }
0x89: {  	[sflag:s23] =	ssyncset.done $0x0  }
0x8a: {  	[sflag:s23] =	ssyncadd.s32 $0xFFFFF000  }
0x8b: {  	s26 =	simm.s32 $0x0;
	_ =	swait.ge [sflag:s23], $0x1000  }
0x8c: {  	s19 =	sand.u32 $0x70, s26;
	s2 =	sand.u32 $0x7C00, s26;
	[sflag:s23] =	ssyncset.done $0x0  }
0x8d: {  	s2 =	sor.u32 s19, s2;
	[sflag:s23] =	ssyncadd.s32 $0xFFFFF000  }
0x8e: {  	v1 =	vld [tilespmem:s2+$0x100];
	_ =	sdelay $0x2  }
0x8f: {  	v2 =	vld [tilespmem:s2+$0x0]  }
0x90: {  	v3 =	vld [tilespmem:s2+$0x80]  }
0x91: {  	v4 =	vld [tilespmem:s2+$0x380];
	v1 =	vsub.f32 $0.0e+00, v1  }
0x92: {  	v5 =	vld [tilespmem:s2+$0x300]  }
0x93: {  	v1 =	vmul.f32 $1.442695020e+00, v1;
	_ =	sdelay $0x1  }
0x94: {  	(erf) = vpow2.f32 v1  }
0x95: {  	v1 =	vadd.f32 v3, v4  }
0x96: {  	v2 =	vadd.f32 v2, v5  }
0x97: {  	v1 =	vadd.f32 $1.000000000e+00, v1  }
0x98: {  	v2 =	vadd.f32 $1.000000000e+00, v2  }
0x99: {  	v1 =	vmul.f32 $2.560000000e+02, v1  }
0x9a: {  	v2 =	vmul.f32 $2.560000000e+02, v2  }
0x9b: {  	v1 =	vmax.f32 v1, $0.0e+00  }
0x9c: {  	v2 =	vmax.f32 v2, $0.0e+00;
	v1 =	vmin.f32 v1, $5.110000000e+02  }
0x9d: {  	v2 =	vmin.f32 v2, $5.110000000e+02;
	v1 =	vtrunc.f32 v1;
	v3 =	vpop (erf)  }
0x9e: {  	v2 =	vtrunc.f32 v2;
	v1 =	vcvt.f32.s32 v1;
	v3 =	vadd.f32 $1.000000000e+00, v3  }
0x9f: {  	v2 =	vcvt.f32.s32 v2  }
0xa0: {  	v1 =	vshll.u32 v1, $0x9;
	(erf) = vrcp.f32 v3  }
0xa1: {  	s30 =	simm.s32 $0x9000;
	v1 =	vadd.s32 v2, v1  }
0xa2: {  	[tilespmem:s30+$0xFFFFF000] =	vst v1;
	v2 =	vadd.s32 $0x40000, v1  }
0xa3: {  	v1 =	vadd.s32 $0x80000, v1;
	[tilespmem:s30+$0x0] =	vst v2  }
0xa4: {  	[tilespmem:s30+$0x1000] =	vst v1  }
0xa5: {  	v1 =	vld [tilespmem:s2+$0x180];
	_ =	sdelay $0x3  }
0xa6: {  	v2 =	vpop (erf)  }
0xa7: {  	v1 =	vmul.f32 v2, v1  }
0xa8: {  	s19 =	simm.s32 $0xC000  }
0xa9: {  	[tilespmem:s19+$0xFFFFF000] =	vst v1  }
0xaa: {  	v1 =	vld [tilespmem:s2+$0x200];
	_ =	sdelay $0x4  }
0xab: {  	v1 =	vmul.f32 v1, v2;
	_ =	sdelay $0x1  }
0xac: {  	[tilespmem:s19+$0x0] =	vst v1  }
0xad: {  	v1 =	vld [tilespmem:s2+$0x280];
	_ =	sdelay $0x3  }
0xae: {  	s28 =	simm.s32 $0x10;
	s20 =	simm.s32 $0x20;
	s2 =	simm.s32 $0x80  }
0xaf: {  	s31 =	simm.s32 $0xC010;
	s22 =	sand.u32 $0x70, s28;
	s26 =	sand.u32 $0x7C00, s2;
	v1 =	vmul.f32 v1, v2  }
.LBB2_20:
0xb0: {  	s26 =	sor.u32 s22, s26  }
0xb1: {  	s30 =	sadd.s32 $0x10, s30;
	s22 =	smov.u32 s20;
	s28 =	sadd.s32 $0x10, s20  }
0xb2: {  	p0 =	sne.s32 s20, $0xFF0;
	[tilespmem:s19+$0x1000] =	vst v1;
	s19 =	smov.u32 s31  }
0xb3: {  	v1 =	vld [tilespmem:s26+$0x100];
	_ =	sdelay $0x2  }
0xb4: {  	v2 =	vld [tilespmem:s26+$0x0]  }
0xb5: {  	v3 =	vld [tilespmem:s26+$0x80]  }
0xb6: {  	v4 =	vld [tilespmem:s26+$0x380];
	v1 =	vsub.f32 $0.0e+00, v1  }
0xb7: {  	v5 =	vld [tilespmem:s26+$0x300]  }
0xb8: {  	v1 =	vmul.f32 $1.442695020e+00, v1;
	_ =	sdelay $0x1  }
0xb9: {  	(erf) = vpow2.f32 v1  }
0xba: {  	v1 =	vadd.f32 v3, v4  }
0xbb: {  	v2 =	vadd.f32 v2, v5  }
0xbc: {  	v1 =	vadd.f32 $1.000000000e+00, v1  }
0xbd: {  	v2 =	vadd.f32 $1.000000000e+00, v2  }
0xbe: {  	v1 =	vmul.f32 $2.560000000e+02, v1  }
0xbf: {  	v2 =	vmul.f32 $2.560000000e+02, v2  }
0xc0: {  	v1 =	vmax.f32 v1, $0.0e+00  }
0xc1: {  	v2 =	vmax.f32 v2, $0.0e+00;
	v1 =	vmin.f32 v1, $5.110000000e+02  }
0xc2: {  	v2 =	vmin.f32 v2, $5.110000000e+02;
	v1 =	vtrunc.f32 v1;
	v3 =	vpop (erf)  }
0xc3: {  	v2 =	vtrunc.f32 v2;
	v1 =	vcvt.f32.s32 v1;
	v3 =	vadd.f32 $1.000000000e+00, v3  }
0xc4: {  	v2 =	vcvt.f32.s32 v2  }
0xc5: {  	v1 =	vshll.u32 v1, $0x9;
	(erf) = vrcp.f32 v3  }
0xc6: {  	v1 =	vadd.s32 v2, v1  }
0xc7: {  	[tilespmem:s30+$0xFFFFF000] =	vst v1;
	v2 =	vadd.s32 $0x40000, v1;
	v1 =	vadd.s32 $0x80000, v1  }
0xc8: {  	[tilespmem:s30+$0x0] =	vst v2  }
0xc9: {  	[tilespmem:s30+$0x1000] =	vst v1  }
0xca: {  	v1 =	vld [tilespmem:s26+$0x180];
	_ =	sdelay $0x3  }
0xcb: {  	v2 =	vpop (erf)  }
0xcc: {  	v1 =	vmul.f32 v2, v1;
	_ =	sdelay $0x1  }
0xcd: {  	[tilespmem:s31+$0xFFFFF000] =	vst v1  }
0xce: {  	v1 =	vld [tilespmem:s26+$0x200];
	_ =	sdelay $0x4  }
0xcf: {  	v1 =	vmul.f32 v1, v2;
	_ =	sdelay $0x1  }
0xd0: {  	[tilespmem:s31+$0x0] =	vst v1  }
0xd1: {  	v1 =	vld [tilespmem:s26+$0x280]  }
.Ltmp9:
0xd2: {  	(pc) =	sbr.rel @p0 .LBB2_20-.Ltmp9, $3  }
0xd3: {  	_ =	sdelay $0x1  }
0xd4: {  	s2 =	sadd.s32 $0x80, s2;
	s22 =	sand.u32 $0x70, s22  }
0xd5: {  	s20 =	smov.u32 s28;
	s31 =	sadd.s32 $0x10, s31;
	s26 =	sand.u32 $0x7C00, s2;
	v1 =	vmul.f32 v1, v2  }
0xd6: {  	_ = 	snop  }
0xd7: {  	s2 =	sor.u32 s22, s26;
	[tilespmem:s19+$0x1000] =	vst v1  }
0xd8: {  	v1 =	vld [tilespmem:s2+$0x100];
	_ =	sdelay $0x2  }
0xd9: {  	v2 =	vld [tilespmem:s2+$0x0]  }
0xda: {  	v3 =	vld [tilespmem:s2+$0x80]  }
0xdb: {  	v4 =	vld [tilespmem:s2+$0x380];
	v1 =	vsub.f32 $0.0e+00, v1  }
0xdc: {  	v5 =	vld [tilespmem:s2+$0x300]  }
0xdd: {  	v1 =	vmul.f32 $1.442695020e+00, v1;
	_ =	sdelay $0x1  }
0xde: {  	(erf) = vpow2.f32 v1  }
0xdf: {  	v1 =	vadd.f32 v3, v4  }
0xe0: {  	v2 =	vadd.f32 v2, v5  }
0xe1: {  	v1 =	vadd.f32 $1.000000000e+00, v1  }
0xe2: {  	v2 =	vadd.f32 $1.000000000e+00, v2  }
0xe3: {  	v1 =	vmul.f32 $2.560000000e+02, v1  }
0xe4: {  	v2 =	vmul.f32 $2.560000000e+02, v2  }
0xe5: {  	v1 =	vmax.f32 v1, $0.0e+00  }
0xe6: {  	v2 =	vmax.f32 v2, $0.0e+00;
	v1 =	vmin.f32 v1, $5.110000000e+02  }
0xe7: {  	v2 =	vmin.f32 v2, $5.110000000e+02;
	v1 =	vtrunc.f32 v1;
	v3 =	vpop (erf)  }
0xe8: {  	v2 =	vtrunc.f32 v2;
	v1 =	vcvt.f32.s32 v1;
	v3 =	vadd.f32 $1.000000000e+00, v3  }
0xe9: {  	v2 =	vcvt.f32.s32 v2  }
0xea: {  	v1 =	vshll.u32 v1, $0x9;
	(erf) = vrcp.f32 v3  }
0xeb: {  	s26 =	sadd.s32 $0x10, s30;
	v1 =	vadd.s32 v2, v1  }
0xec: {  	[tilespmem:s26+$0xFFFFF000] =	vst v1;
	v2 =	vadd.s32 $0x40000, v1  }
0xed: {  	v1 =	vadd.s32 $0x80000, v1;
	[tilespmem:s26+$0x0] =	vst v2  }
0xee: {  	[tilespmem:s26+$0x1000] =	vst v1  }
0xef: {  	v1 =	vld [tilespmem:s2+$0x180];
	_ =	sdelay $0x3  }
0xf0: {  	v2 =	vpop (erf)  }
0xf1: {  	v1 =	vmul.f32 v2, v1;
	_ =	sdelay $0x1  }
0xf2: {  	[tilespmem:s31+$0xFFFFF000] =	vst v1  }
0xf3: {  	v1 =	vld [tilespmem:s2+$0x200];
	_ =	sdelay $0x4  }
0xf4: {  	v1 =	vmul.f32 v1, v2;
	_ =	sdelay $0x1  }
0xf5: {  	[tilespmem:s31+$0x0] =	vst v1  }
0xf6: {  	v1 =	vld [tilespmem:s2+$0x280];
	_ =	sdelay $0x4  }
0xf7: {  	v1 =	vmul.f32 v1, v2  }
0xf8: {  	s28 =	rddreg [dreg:$0x2]  }
0xf9: {  	s30 =	simm.s32 $0x3000;
	s20 =	simm.s32 $0x8000;
	[tilespmem:s31+$0x1000] =	vst v1;
	s31 =	simm.s32 $0xB000  }
0xfa: {  	[spmem:s28] =	stream.indirect.scatter.add.f32 [tilespmem:s31], [sflag:$0x2], $0x1, s20, s30, $0xb8;
	[tilespmem:$0x1D000] =	vst v63  }
0xfb: {  	_ =	swait.ge [sflag:s21], $0x3000  }
0xfc: {  	[sflag:s21] =	ssyncset.done $0x0  }
0xfd: {  	[sflag:s21] =	ssyncadd.s32 $0xFFFFD000  }
0xfe: {  	[bflag:$0x0] =	sbarrier.arrive $0xFFFF  }
0xff: {  	[tilespmem:s0], [sflag:$0x2] =	stream.linear.gather [spmem:s24], $0x3000, $0x38;
	[tilespmem:$0x1D000] =	vst v63  }
0x100: {  	_ =	swait.ge [sflag:s21], $0x3000  }
0x101: {  	[sflag:s21] =	ssyncset.done $0x0  }
0x102: {  	s19 =	simm.s32 $0x40;
	s2 =	simm.s32 $0x0;
	[sflag:s21] =	ssyncadd.s32 $0xFFFFD000  }
.LBB2_22:
0x103: {  	p0 =	sne.s32 s19, $0xBFC0;
	v1 =	vld [tilespmem:s2+$0xE000];
	_ =	sdelay $0x2  }
.Ltmp10:
0x104: {  	(pc) =	sbr.rel @p0 .LBB2_22-.Ltmp10, $4  }
0x105: {  	_ = 	snop  }
0x106: {  	v1 =	vmax.f32 v1, $0.0e+00  }
0x107: {  	v1 =	vmin.f32 v1, $1.000000000e+00  }
0x108: {  	[tilespmem:s2+$0xE000] =	vst v1;
	s2 =	sshra.s32 s19, $0x2;
	s19 =	sadd.s32 $0x40, s19  }
0x109: {  	v1 =	vld [tilespmem:s2+$0xE000];
	_ =	sdelay $0x4  }
0x10a: {  	v1 =	vmax.f32 v1, $0.0e+00  }
0x10b: {  	v1 =	vmin.f32 v1, $1.000000000e+00  }
0x10c: {  	s31 =	simm.s32 $0x0;
	s19 =	rddreg [dreg:$0x4];
	[tilespmem:s2+$0xE000] =	vst v1  }
0x10d: {  	[hbm4b:s19+s31] =	stream.linear.scatter [tilespmem:s0], [sflag:$0x2], $0x3000, $0x38;
	[tilespmem:$0x1D000] =	vst v63  }
0x10e: {  	_ =	swait.ge [sflag:s21], $0x3000  }
0x10f: {  	[sflag:s21] =	ssyncset.done $0x0  }
0x110: {  	s20 =	rddreg [dreg:$0x9];
	[sflag:s21] =	ssyncadd.s32 $0xFFFFD000  }
0x111: {  	[tilespmem:s0], [sflag:$0x2] =	stream.linear.gather [spmem:s20], $0x3000, $0x38;
	[tilespmem:$0x1D000] =	vst v63  }
0x112: {  	_ =	swait.ge [sflag:s21], $0x3000  }
0x113: {  	s2 =	simm.s32 $0x0;
	[sflag:s21] =	ssyncset.done $0x0  }
0x114: {  	s19 =	simm.s32 $0x40;
	s22 =	rddreg [dreg:$0xa];
	[sflag:s21] =	ssyncadd.s32 $0xFFFFD000  }
.LBB2_24:
0x115: {  	p0 =	sne.s32 s19, $0xBFC0;
	v1 =	vld [tilespmem:s2+$0xE000];
	_ =	sdelay $0x2  }
.Ltmp11:
0x116: {  	(pc) =	sbr.rel @p0 .LBB2_24-.Ltmp11, $4  }
0x117: {  	_ = 	snop  }
0x118: {  	v1 =	vmax.f32 v1, $0.0e+00  }
0x119: {  	v1 =	vmin.f32 v1, $1.000000000e+00  }
0x11a: {  	[tilespmem:s2+$0xE000] =	vst v1;
	s2 =	sshra.s32 s19, $0x2;
	s19 =	sadd.s32 $0x40, s19  }
0x11b: {  	v1 =	vld [tilespmem:s2+$0xE000];
	_ =	sdelay $0x4  }
0x11c: {  	v1 =	vmax.f32 v1, $0.0e+00  }
0x11d: {  	v1 =	vmin.f32 v1, $1.000000000e+00  }
0x11e: {  	s31 =	simm.s32 $0x0;
	s19 =	rddreg [dreg:$0x5];
	[tilespmem:s2+$0xE000] =	vst v1  }
0x11f: {  	[hbm4b:s19+s31] =	stream.linear.scatter [tilespmem:s0], [sflag:$0x2], $0x3000, $0x38;
	[tilespmem:$0x1D000] =	vst v63  }
0x120: {  	_ =	swait.ge [sflag:s21], $0x3000  }
0x121: {  	[sflag:s21] =	ssyncset.done $0x0  }
0x122: {  	[sflag:s21] =	ssyncadd.s32 $0xFFFFD000  }
0x123: {  	[tilespmem:s0], [sflag:$0x2] =	stream.linear.gather [spmem:s22], $0x3000, $0x38;
	[tilespmem:$0x1D000] =	vst v63  }
0x124: {  	_ =	swait.ge [sflag:s21], $0x3000  }
0x125: {  	[sflag:s21] =	ssyncset.done $0x0  }
0x126: {  	s2 =	simm.s32 $0x0;
	s19 =	simm.s32 $0x40;
	[sflag:s21] =	ssyncadd.s32 $0xFFFFD000  }
.LBB2_26:
0x127: {  	p0 =	sne.s32 s19, $0xBFC0;
	v1 =	vld [tilespmem:s2+$0xE000];
	_ =	sdelay $0x2  }
.Ltmp12:
0x128: {  	(pc) =	sbr.rel @p0 .LBB2_26-.Ltmp12, $4  }
0x129: {  	_ = 	snop  }
0x12a: {  	v1 =	vmax.f32 v1, $0.0e+00  }
0x12b: {  	v1 =	vmin.f32 v1, $1.000000000e+00  }
0x12c: {  	[tilespmem:s2+$0xE000] =	vst v1;
	s2 =	sshra.s32 s19, $0x2;
	s19 =	sadd.s32 $0x40, s19  }
0x12d: {  	v1 =	vld [tilespmem:s2+$0xE000];
	_ =	sdelay $0x4  }
0x12e: {  	v1 =	vmax.f32 v1, $0.0e+00  }
0x12f: {  	v1 =	vmin.f32 v1, $1.000000000e+00  }
0x130: {  	s31 =	simm.s32 $0x0;
	s19 =	rddreg [dreg:$0xb];
	[tilespmem:s2+$0xE000] =	vst v1  }
0x131: {  	[hbm4b:s19+s31] =	stream.linear.scatter [tilespmem:s0], [sflag:$0x2], $0x3000, $0x38;
	[tilespmem:$0x1D000] =	vst v63  }
0x132: {  	_ =	swait.ge [sflag:s21], $0x3000  }
0x133: {  	[sflag:s21] =	ssyncset.done $0x0  }
0x134: {  	[sflag:s21] =	ssyncadd.s32 $0xFFFFD000  }
0x135: {  	[tilespmem:s0], [sflag:$0x2] =	stream.linear.gather [spmem:s29], $0x3000, $0x38;
	[tilespmem:$0x1D000] =	vst v63  }
0x136: {  	_ =	swait.ge [sflag:s21], $0x3000  }
0x137: {  	[sflag:s21] =	ssyncset.done $0x0  }
0x138: {  	s2 =	simm.s32 $0x0;
	s19 =	simm.s32 $0x40;
	[sflag:s21] =	ssyncadd.s32 $0xFFFFD000  }
.LBB2_28:
0x139: {  	p0 =	sne.s32 s19, $0xBFC0;
	v1 =	vld [tilespmem:s2+$0xE000];
	_ =	sdelay $0x2  }
.Ltmp13:
0x13a: {  	(pc) =	sbr.rel @p0 .LBB2_28-.Ltmp13, $4  }
0x13b: {  	_ = 	snop  }
0x13c: {  	v1 =	vmax.f32 v1, $0.0e+00  }
0x13d: {  	v1 =	vmin.f32 v1, $1.000000000e+00  }
0x13e: {  	[tilespmem:s2+$0xE000] =	vst v1;
	s2 =	sshra.s32 s19, $0x2;
	s19 =	sadd.s32 $0x40, s19  }
0x13f: {  	v1 =	vld [tilespmem:s2+$0xE000];
	_ =	sdelay $0x4  }
0x140: {  	v1 =	vmax.f32 v1, $0.0e+00  }
0x141: {  	v1 =	vmin.f32 v1, $1.000000000e+00  }
0x142: {  	s31 =	simm.s32 $0x0;
	s19 =	rddreg [dreg:$0xc];
	[tilespmem:s2+$0xE000] =	vst v1  }
0x143: {  	[hbm4b:s19+s31] =	stream.linear.scatter [tilespmem:s0], [sflag:$0x2], $0x3000, $0x38;
	[tilespmem:$0x1D000] =	vst v63  }
0x144: {  	_ =	swait.ge [sflag:s21], $0x3000  }
0x145: {  	[sflag:s21] =	ssyncset.done $0x0  }
0x146: {  	[sflag:s21] =	ssyncadd.s32 $0xFFFFD000  }
0x147: {  	s2 =	simm.s32 $0x40;
	s19 =	simm.s32 $0x0;
	[bflag:$0x0] =	sbarrier.arrive $0xFFFF  }
.LBB2_30:
0x148: {  	p0 =	sne.s32 s2, $0xBFC0;
	[tilespmem:s19+$0xE000] =	vst v0;
	s19 =	smov.u32 s2;
	s2 =	sadd.s32 $0x40, s2  }
.Ltmp14:
0x149: {  	(pc) =	sbr.rel @p0 .LBB2_30-.Ltmp14, $2  }
0x14a: {  	_ =	sdelay $0x2  }
0x14b: {  	s19 =	sshra.s32 s19, $0x2  }
0x14c: {  	[tilespmem:s19+$0xE000] =	vst v0  }
0x14d: {  	[spmem:s24] =	stream.linear.scatter [tilespmem:s0], [sflag:$0x2], $0x3000, $0x38;
	[tilespmem:$0x1D000] =	vst v63  }
0x14e: {  	_ =	swait.ge [sflag:s21], $0x3000  }
0x14f: {  	[sflag:s21] =	ssyncset.done $0x0  }
0x150: {  	[sflag:s21] =	ssyncadd.s32 $0xFFFFD000  }
0x151: {  	[spmem:s20] =	stream.linear.scatter [tilespmem:s0], [sflag:$0x2], $0x3000, $0x38;
	[tilespmem:$0x1D000] =	vst v63  }
0x152: {  	_ =	swait.ge [sflag:s21], $0x3000  }
0x153: {  	[sflag:s21] =	ssyncset.done $0x0  }
0x154: {  	[sflag:s21] =	ssyncadd.s32 $0xFFFFD000  }
0x155: {  	[spmem:s22] =	stream.linear.scatter [tilespmem:s0], [sflag:$0x2], $0x3000, $0x38;
	[tilespmem:$0x1D000] =	vst v63  }
0x156: {  	_ =	swait.ge [sflag:s21], $0x3000  }
0x157: {  	[sflag:s21] =	ssyncset.done $0x0  }
0x158: {  	[sflag:s21] =	ssyncadd.s32 $0xFFFFD000  }
0x159: {  	[spmem:s29] =	stream.linear.scatter [tilespmem:s0], [sflag:$0x2], $0x3000, $0x38;
	[tilespmem:$0x1D000] =	vst v63  }
0x15a: {  	_ =	swait.ge [sflag:s21], $0x3000  }
0x15b: {  	[sflag:s21] =	ssyncset.done $0x0  }
0x15c: {  	s2 =	simm.s32 $0x0;
	s19 =	simm.s32 $0x80;
	[sflag:s21] =	ssyncadd.s32 $0xFFFFD000  }
0x15d: {  	s20 =	simm.s32 $0x400;
	s22 =	sadd.s32 $0x0, s9;
	[bflag:$0x0] =	sbarrier.arrive $0xFFFF  }
.LBB2_32:
0x15e: {  	[tilespmem:s2], [sflag:$0x1] =	stream.linear.gather [hbm4b:s22+s1], $0x80, $0x38;
	[tilespmem:$0x1D000] =	vst v63  }
0x15f: {  	s22 =	smov.u32 s19;
	s2 =	smov.u32 s20;
	p0 =	sne.s32 s19, $0xF80  }
.Ltmp15:
0x160: {  	s19 =	sadd.s32 $0x80, s19;
	(pc) =	sbr.rel @p0 .LBB2_32-.Ltmp15, $2  }
0x161: {  	_ =	sdelay $0x2  }
0x162: {  	s20 =	sadd.s32 $0x400, s20;
	s22 =	sadd.s32 s22, s9  }
0x163: {  	[tilespmem:s2], [sflag:$0x1] =	stream.linear.gather [hbm4b:s22+s1], $0x80, $0x38;
	[tilespmem:$0x1D000] =	vst v63  }
0x164: {  	s2 =	simm.s32 $0x80  }
0x165: {  	s19 =	simm.s32 $0x80;
	s22 =	sadd.s32 $0x0, s10;
	s20 =	simm.s32 $0x480  }
.LBB2_34:
0x166: {  	[tilespmem:s2], [sflag:$0x1] =	stream.linear.gather [hbm4b:s22+s1], $0x80, $0x38;
	[tilespmem:$0x1D000] =	vst v63  }
0x167: {  	s22 =	smov.u32 s19;
	s2 =	smov.u32 s20;
	p0 =	sne.s32 s19, $0xF80  }
.Ltmp16:
0x168: {  	s19 =	sadd.s32 $0x80, s19;
	(pc) =	sbr.rel @p0 .LBB2_34-.Ltmp16, $2  }
0x169: {  	_ =	sdelay $0x2  }
0x16a: {  	s20 =	sadd.s32 $0x400, s20;
	s22 =	sadd.s32 s22, s10  }
0x16b: {  	[tilespmem:s2], [sflag:$0x1] =	stream.linear.gather [hbm4b:s22+s1], $0x80, $0x38;
	[tilespmem:$0x1D000] =	vst v63  }
0x16c: {  	s2 =	simm.s32 $0x100  }
0x16d: {  	s19 =	simm.s32 $0x80;
	s22 =	sadd.s32 $0x0, s11;
	s20 =	simm.s32 $0x500  }
.LBB2_36:
0x16e: {  	[tilespmem:s2], [sflag:$0x1] =	stream.linear.gather [hbm4b:s22+s1], $0x80, $0x38;
	[tilespmem:$0x1D000] =	vst v63  }
0x16f: {  	s22 =	smov.u32 s19;
	s2 =	smov.u32 s20;
	p0 =	sne.s32 s19, $0xF80  }
.Ltmp17:
0x170: {  	s19 =	sadd.s32 $0x80, s19;
	(pc) =	sbr.rel @p0 .LBB2_36-.Ltmp17, $2  }
0x171: {  	_ =	sdelay $0x2  }
0x172: {  	s20 =	sadd.s32 $0x400, s20;
	s22 =	sadd.s32 s22, s11  }
0x173: {  	[tilespmem:s2], [sflag:$0x1] =	stream.linear.gather [hbm4b:s22+s1], $0x80, $0x38;
	[tilespmem:$0x1D000] =	vst v63  }
0x174: {  	s2 =	simm.s32 $0x180  }
0x175: {  	s19 =	simm.s32 $0x80;
	s22 =	sadd.s32 $0x0, s12;
	s20 =	simm.s32 $0x580  }
.LBB2_38:
0x176: {  	[tilespmem:s2], [sflag:$0x1] =	stream.linear.gather [hbm4b:s22+s1], $0x80, $0x38;
	[tilespmem:$0x1D000] =	vst v63  }
0x177: {  	s22 =	smov.u32 s19;
	s2 =	smov.u32 s20;
	p0 =	sne.s32 s19, $0xF80  }
.Ltmp18:
0x178: {  	s19 =	sadd.s32 $0x80, s19;
	(pc) =	sbr.rel @p0 .LBB2_38-.Ltmp18, $2  }
0x179: {  	_ =	sdelay $0x2  }
0x17a: {  	s20 =	sadd.s32 $0x400, s20;
	s22 =	sadd.s32 s22, s12  }
0x17b: {  	[tilespmem:s2], [sflag:$0x1] =	stream.linear.gather [hbm4b:s22+s1], $0x80, $0x38;
	[tilespmem:$0x1D000] =	vst v63  }
0x17c: {  	s2 =	simm.s32 $0x200  }
0x17d: {  	s19 =	simm.s32 $0x80;
	s22 =	sadd.s32 $0x0, s13;
	s20 =	simm.s32 $0x600  }
.LBB2_40:
0x17e: {  	[tilespmem:s2], [sflag:$0x1] =	stream.linear.gather [hbm4b:s22+s1], $0x80, $0x38;
	[tilespmem:$0x1D000] =	vst v63  }
0x17f: {  	s22 =	smov.u32 s19;
	s2 =	smov.u32 s20;
	p0 =	sne.s32 s19, $0xF80  }
.Ltmp19:
0x180: {  	s19 =	sadd.s32 $0x80, s19;
	(pc) =	sbr.rel @p0 .LBB2_40-.Ltmp19, $2  }
0x181: {  	_ =	sdelay $0x2  }
0x182: {  	s20 =	sadd.s32 $0x400, s20;
	s22 =	sadd.s32 s22, s13  }
0x183: {  	[tilespmem:s2], [sflag:$0x1] =	stream.linear.gather [hbm4b:s22+s1], $0x80, $0x38;
	[tilespmem:$0x1D000] =	vst v63  }
0x184: {  	s2 =	simm.s32 $0x280  }
0x185: {  	s19 =	simm.s32 $0x80;
	s22 =	sadd.s32 $0x0, s14;
	s20 =	simm.s32 $0x680  }
.LBB2_42:
0x186: {  	[tilespmem:s2], [sflag:$0x1] =	stream.linear.gather [hbm4b:s22+s1], $0x80, $0x38;
	[tilespmem:$0x1D000] =	vst v63  }
0x187: {  	s22 =	smov.u32 s19;
	s2 =	smov.u32 s20;
	p0 =	sne.s32 s19, $0xF80  }
.Ltmp20:
0x188: {  	s19 =	sadd.s32 $0x80, s19;
	(pc) =	sbr.rel @p0 .LBB2_42-.Ltmp20, $2  }
0x189: {  	_ =	sdelay $0x2  }
0x18a: {  	s20 =	sadd.s32 $0x400, s20;
	s22 =	sadd.s32 s22, s14  }
0x18b: {  	[tilespmem:s2], [sflag:$0x1] =	stream.linear.gather [hbm4b:s22+s1], $0x80, $0x38;
	[tilespmem:$0x1D000] =	vst v63  }
0x18c: {  	s2 =	simm.s32 $0x300  }
0x18d: {  	s19 =	simm.s32 $0x40;
	s22 =	sadd.s32 $0x0, s17;
	s20 =	simm.s32 $0x700  }
.LBB2_44:
0x18e: {  	[tilespmem:s2], [sflag:$0x1] =	stream.linear.gather [hbm4b:s22+s1], $0x80, $0x38;
	[tilespmem:$0x1D000] =	vst v63  }
0x18f: {  	s22 =	smov.u32 s19;
	s2 =	smov.u32 s20;
	p0 =	sne.s32 s19, $0x7C0  }
.Ltmp21:
0x190: {  	s19 =	sadd.s32 $0x40, s19;
	(pc) =	sbr.rel @p0 .LBB2_44-.Ltmp21, $2  }
0x191: {  	_ =	sdelay $0x2  }
0x192: {  	s20 =	sadd.s32 $0x400, s20;
	s22 =	sadd.s32 s22, s17  }
0x193: {  	[tilespmem:s2], [sflag:$0x1] =	stream.linear.gather [hbm4b:s22+s1], $0x80, $0x38;
	[tilespmem:$0x1D000] =	vst v63  }
0x194: {  	s2 =	simm.s32 $0x380  }
0x195: {  	s19 =	simm.s32 $0x40;
	s22 =	sadd.s32 $0x0, s18;
	s20 =	simm.s32 $0x780  }
.LBB2_46:
0x196: {  	[tilespmem:s2], [sflag:$0x1] =	stream.linear.gather [hbm4b:s22+s1], $0x80, $0x38;
	[tilespmem:$0x1D000] =	vst v63  }
0x197: {  	s22 =	smov.u32 s19;
	s2 =	smov.u32 s20;
	p0 =	sne.s32 s19, $0x7C0  }
.Ltmp22:
0x198: {  	s19 =	sadd.s32 $0x40, s19;
	(pc) =	sbr.rel @p0 .LBB2_46-.Ltmp22, $2  }
0x199: {  	_ =	sdelay $0x2  }
0x19a: {  	s20 =	sadd.s32 $0x400, s20;
	s22 =	sadd.s32 s22, s18  }
0x19b: {  	[tilespmem:s2], [sflag:$0x1] =	stream.linear.gather [hbm4b:s22+s1], $0x80, $0x38;
	[tilespmem:$0x1D000] =	vst v63  }
0x19c: {  	_ =	swait.ge [sflag:s23], $0x1000  }
0x19d: {  	[sflag:s23] =	ssyncset.done $0x0  }
0x19e: {  	[sflag:s23] =	ssyncadd.s32 $0xFFFFF000  }
0x19f: {  	_ =	swait.ge [sflag:s23], $0x1000  }
0x1a0: {  	[sflag:s23] =	ssyncset.done $0x0  }
0x1a1: {  	[sflag:s23] =	ssyncadd.s32 $0xFFFFF000  }
0x1a2: {  	_ =	swait.ge [sflag:s23], $0x1000  }
0x1a3: {  	[sflag:s23] =	ssyncset.done $0x0  }
0x1a4: {  	[sflag:s23] =	ssyncadd.s32 $0xFFFFF000  }
0x1a5: {  	_ =	swait.ge [sflag:s23], $0x1000  }
0x1a6: {  	[sflag:s23] =	ssyncset.done $0x0  }
0x1a7: {  	[sflag:s23] =	ssyncadd.s32 $0xFFFFF000  }
0x1a8: {  	_ =	swait.ge [sflag:s23], $0x1000  }
0x1a9: {  	[sflag:s23] =	ssyncset.done $0x0  }
0x1aa: {  	[sflag:s23] =	ssyncadd.s32 $0xFFFFF000  }
0x1ab: {  	_ =	swait.ge [sflag:s23], $0x1000  }
0x1ac: {  	[sflag:s23] =	ssyncset.done $0x0  }
0x1ad: {  	[sflag:s23] =	ssyncadd.s32 $0xFFFFF000  }
0x1ae: {  	_ =	swait.ge [sflag:s23], $0x1000  }
0x1af: {  	[sflag:s23] =	ssyncset.done $0x0  }
0x1b0: {  	[sflag:s23] =	ssyncadd.s32 $0xFFFFF000  }
0x1b1: {  	s26 =	simm.s32 $0x0;
	_ =	swait.ge [sflag:s23], $0x1000  }
0x1b2: {  	s19 =	sand.u32 $0x70, s26;
	s2 =	sand.u32 $0x7C00, s26;
	[sflag:s23] =	ssyncset.done $0x0  }
0x1b3: {  	s2 =	sor.u32 s19, s2;
	[sflag:s23] =	ssyncadd.s32 $0xFFFFF000  }
0x1b4: {  	v1 =	vld [tilespmem:s2+$0x100];
	_ =	sdelay $0x2  }
0x1b5: {  	v2 =	vld [tilespmem:s2+$0x0]  }
0x1b6: {  	v3 =	vld [tilespmem:s2+$0x80]  }
0x1b7: {  	v4 =	vld [tilespmem:s2+$0x380];
	v1 =	vsub.f32 $0.0e+00, v1  }
0x1b8: {  	v5 =	vld [tilespmem:s2+$0x300]  }
0x1b9: {  	v1 =	vmul.f32 $1.442695020e+00, v1;
	_ =	sdelay $0x1  }
0x1ba: {  	(erf) = vpow2.f32 v1  }
0x1bb: {  	v1 =	vadd.f32 v3, v4  }
0x1bc: {  	v2 =	vadd.f32 v2, v5  }
0x1bd: {  	v1 =	vadd.f32 $1.000000000e+00, v1  }
0x1be: {  	v2 =	vadd.f32 $1.000000000e+00, v2  }
0x1bf: {  	v1 =	vmul.f32 $2.560000000e+02, v1  }
0x1c0: {  	v2 =	vmul.f32 $2.560000000e+02, v2  }
0x1c1: {  	v1 =	vmax.f32 v1, $0.0e+00  }
0x1c2: {  	v2 =	vmax.f32 v2, $0.0e+00;
	v1 =	vmin.f32 v1, $5.110000000e+02  }
0x1c3: {  	v2 =	vmin.f32 v2, $5.110000000e+02;
	v1 =	vtrunc.f32 v1;
	v3 =	vpop (erf)  }
0x1c4: {  	v2 =	vtrunc.f32 v2;
	v1 =	vcvt.f32.s32 v1;
	v3 =	vadd.f32 $1.000000000e+00, v3  }
0x1c5: {  	v2 =	vcvt.f32.s32 v2  }
0x1c6: {  	v1 =	vshll.u32 v1, $0x9;
	(erf) = vrcp.f32 v3  }
0x1c7: {  	s30 =	simm.s32 $0x9000;
	v1 =	vadd.s32 v2, v1  }
0x1c8: {  	[tilespmem:s30+$0xFFFFF000] =	vst v1;
	v2 =	vadd.s32 $0x40000, v1  }
0x1c9: {  	v1 =	vadd.s32 $0x80000, v1;
	[tilespmem:s30+$0x0] =	vst v2  }
0x1ca: {  	[tilespmem:s30+$0x1000] =	vst v1  }
0x1cb: {  	v1 =	vld [tilespmem:s2+$0x180];
	_ =	sdelay $0x3  }
0x1cc: {  	v2 =	vpop (erf)  }
0x1cd: {  	v1 =	vmul.f32 v2, v1  }
0x1ce: {  	s19 =	simm.s32 $0xC000  }
0x1cf: {  	[tilespmem:s19+$0xFFFFF000] =	vst v1  }
0x1d0: {  	v1 =	vld [tilespmem:s2+$0x200];
	_ =	sdelay $0x4  }
0x1d1: {  	v1 =	vmul.f32 v1, v2;
	_ =	sdelay $0x1  }
0x1d2: {  	[tilespmem:s19+$0x0] =	vst v1  }
0x1d3: {  	v1 =	vld [tilespmem:s2+$0x280];
	_ =	sdelay $0x3  }
0x1d4: {  	s20 =	simm.s32 $0x10;
	s28 =	simm.s32 $0x20;
	s2 =	simm.s32 $0x80  }
0x1d5: {  	s31 =	simm.s32 $0xC010;
	s22 =	sand.u32 $0x70, s20;
	s26 =	sand.u32 $0x7C00, s2;
	v1 =	vmul.f32 v1, v2  }
.LBB2_48:
0x1d6: {  	s26 =	sor.u32 s22, s26  }
0x1d7: {  	s30 =	sadd.s32 $0x10, s30;
	s22 =	smov.u32 s28;
	s20 =	sadd.s32 $0x10, s28  }
0x1d8: {  	p0 =	sne.s32 s28, $0xFF0;
	[tilespmem:s19+$0x1000] =	vst v1;
	s19 =	smov.u32 s31  }
0x1d9: {  	v1 =	vld [tilespmem:s26+$0x100];
	_ =	sdelay $0x2  }
0x1da: {  	v2 =	vld [tilespmem:s26+$0x0]  }
0x1db: {  	v3 =	vld [tilespmem:s26+$0x80]  }
0x1dc: {  	v4 =	vld [tilespmem:s26+$0x380];
	v1 =	vsub.f32 $0.0e+00, v1  }
0x1dd: {  	v5 =	vld [tilespmem:s26+$0x300]  }
0x1de: {  	v1 =	vmul.f32 $1.442695020e+00, v1;
	_ =	sdelay $0x1  }
0x1df: {  	(erf) = vpow2.f32 v1  }
0x1e0: {  	v1 =	vadd.f32 v3, v4  }
0x1e1: {  	v2 =	vadd.f32 v2, v5  }
0x1e2: {  	v1 =	vadd.f32 $1.000000000e+00, v1  }
0x1e3: {  	v2 =	vadd.f32 $1.000000000e+00, v2  }
0x1e4: {  	v1 =	vmul.f32 $2.560000000e+02, v1  }
0x1e5: {  	v2 =	vmul.f32 $2.560000000e+02, v2  }
0x1e6: {  	v1 =	vmax.f32 v1, $0.0e+00  }
0x1e7: {  	v2 =	vmax.f32 v2, $0.0e+00;
	v1 =	vmin.f32 v1, $5.110000000e+02  }
0x1e8: {  	v2 =	vmin.f32 v2, $5.110000000e+02;
	v1 =	vtrunc.f32 v1;
	v3 =	vpop (erf)  }
0x1e9: {  	v2 =	vtrunc.f32 v2;
	v1 =	vcvt.f32.s32 v1;
	v3 =	vadd.f32 $1.000000000e+00, v3  }
0x1ea: {  	v2 =	vcvt.f32.s32 v2  }
0x1eb: {  	v1 =	vshll.u32 v1, $0x9;
	(erf) = vrcp.f32 v3  }
0x1ec: {  	v1 =	vadd.s32 v2, v1  }
0x1ed: {  	[tilespmem:s30+$0xFFFFF000] =	vst v1;
	v2 =	vadd.s32 $0x40000, v1;
	v1 =	vadd.s32 $0x80000, v1  }
0x1ee: {  	[tilespmem:s30+$0x0] =	vst v2  }
0x1ef: {  	[tilespmem:s30+$0x1000] =	vst v1  }
0x1f0: {  	v1 =	vld [tilespmem:s26+$0x180];
	_ =	sdelay $0x3  }
0x1f1: {  	v2 =	vpop (erf)  }
0x1f2: {  	v1 =	vmul.f32 v2, v1;
	_ =	sdelay $0x1  }
0x1f3: {  	[tilespmem:s31+$0xFFFFF000] =	vst v1  }
0x1f4: {  	v1 =	vld [tilespmem:s26+$0x200];
	_ =	sdelay $0x4  }
0x1f5: {  	v1 =	vmul.f32 v1, v2;
	_ =	sdelay $0x1  }
0x1f6: {  	[tilespmem:s31+$0x0] =	vst v1  }
0x1f7: {  	v1 =	vld [tilespmem:s26+$0x280]  }
.Ltmp23:
0x1f8: {  	(pc) =	sbr.rel @p0 .LBB2_48-.Ltmp23, $3  }
0x1f9: {  	_ =	sdelay $0x1  }
0x1fa: {  	s2 =	sadd.s32 $0x80, s2;
	s22 =	sand.u32 $0x70, s22  }
0x1fb: {  	s28 =	smov.u32 s20;
	s31 =	sadd.s32 $0x10, s31;
	s26 =	sand.u32 $0x7C00, s2;
	v1 =	vmul.f32 v1, v2  }
0x1fc: {  	_ = 	snop  }
0x1fd: {  	s2 =	sor.u32 s22, s26;
	[tilespmem:s19+$0x1000] =	vst v1  }
0x1fe: {  	v1 =	vld [tilespmem:s2+$0x100];
	_ =	sdelay $0x2  }
0x1ff: {  	v2 =	vld [tilespmem:s2+$0x0]  }
0x200: {  	v3 =	vld [tilespmem:s2+$0x80]  }
0x201: {  	v4 =	vld [tilespmem:s2+$0x380];
	v1 =	vsub.f32 $0.0e+00, v1  }
0x202: {  	v5 =	vld [tilespmem:s2+$0x300]  }
0x203: {  	v1 =	vmul.f32 $1.442695020e+00, v1;
	_ =	sdelay $0x1  }
0x204: {  	(erf) = vpow2.f32 v1  }
0x205: {  	v1 =	vadd.f32 v3, v4  }
0x206: {  	v2 =	vadd.f32 v2, v5  }
0x207: {  	v1 =	vadd.f32 $1.000000000e+00, v1  }
0x208: {  	v2 =	vadd.f32 $1.000000000e+00, v2  }
0x209: {  	v1 =	vmul.f32 $2.560000000e+02, v1  }
0x20a: {  	v2 =	vmul.f32 $2.560000000e+02, v2  }
0x20b: {  	v1 =	vmax.f32 v1, $0.0e+00  }
0x20c: {  	v2 =	vmax.f32 v2, $0.0e+00;
	v1 =	vmin.f32 v1, $5.110000000e+02  }
0x20d: {  	v2 =	vmin.f32 v2, $5.110000000e+02;
	v1 =	vtrunc.f32 v1;
	v3 =	vpop (erf)  }
0x20e: {  	v2 =	vtrunc.f32 v2;
	v1 =	vcvt.f32.s32 v1;
	v3 =	vadd.f32 $1.000000000e+00, v3  }
0x20f: {  	v2 =	vcvt.f32.s32 v2  }
0x210: {  	v1 =	vshll.u32 v1, $0x9;
	(erf) = vrcp.f32 v3  }
0x211: {  	s26 =	sadd.s32 $0x10, s30;
	v1 =	vadd.s32 v2, v1  }
0x212: {  	[tilespmem:s26+$0xFFFFF000] =	vst v1;
	v2 =	vadd.s32 $0x40000, v1  }
0x213: {  	v1 =	vadd.s32 $0x80000, v1;
	[tilespmem:s26+$0x0] =	vst v2  }
0x214: {  	[tilespmem:s26+$0x1000] =	vst v1  }
0x215: {  	v1 =	vld [tilespmem:s2+$0x180];
	_ =	sdelay $0x3  }
0x216: {  	v2 =	vpop (erf)  }
0x217: {  	v1 =	vmul.f32 v2, v1;
	_ =	sdelay $0x1  }
0x218: {  	[tilespmem:s31+$0xFFFFF000] =	vst v1  }
0x219: {  	v1 =	vld [tilespmem:s2+$0x200];
	_ =	sdelay $0x4  }
0x21a: {  	v1 =	vmul.f32 v1, v2;
	_ =	sdelay $0x1  }
0x21b: {  	[tilespmem:s31+$0x0] =	vst v1  }
0x21c: {  	v1 =	vld [tilespmem:s2+$0x280];
	_ =	sdelay $0x4  }
0x21d: {  	v1 =	vmul.f32 v1, v2  }
0x21e: {  	s28 =	rddreg [dreg:$0x2]  }
0x21f: {  	s30 =	simm.s32 $0x3000;
	s20 =	simm.s32 $0x8000;
	[tilespmem:s31+$0x1000] =	vst v1;
	s31 =	simm.s32 $0xB000  }
0x220: {  	[spmem:s28] =	stream.indirect.scatter.add.f32 [tilespmem:s31], [sflag:$0x2], $0x1, s20, s30, $0xb8;
	[tilespmem:$0x1D000] =	vst v63  }
0x221: {  	_ =	swait.ge [sflag:s21], $0x3000  }
0x222: {  	[sflag:s21] =	ssyncset.done $0x0  }
0x223: {  	[sflag:s21] =	ssyncadd.s32 $0xFFFFD000  }
0x224: {  	[bflag:$0x0] =	sbarrier.arrive $0xFFFF  }
0x225: {  	[tilespmem:s0], [sflag:$0x2] =	stream.linear.gather [spmem:s24], $0x3000, $0x38;
	[tilespmem:$0x1D000] =	vst v63  }
0x226: {  	_ =	swait.ge [sflag:s21], $0x3000  }
0x227: {  	[sflag:s21] =	ssyncset.done $0x0  }
0x228: {  	s19 =	simm.s32 $0x40;
	s2 =	simm.s32 $0x0;
	[sflag:s21] =	ssyncadd.s32 $0xFFFFD000  }
.LBB2_50:
0x229: {  	p0 =	sne.s32 s19, $0xBFC0;
	v1 =	vld [tilespmem:s2+$0xE000];
	_ =	sdelay $0x2  }
.Ltmp24:
0x22a: {  	(pc) =	sbr.rel @p0 .LBB2_50-.Ltmp24, $4  }
0x22b: {  	_ = 	snop  }
0x22c: {  	v1 =	vmax.f32 v1, $0.0e+00  }
0x22d: {  	v1 =	vmin.f32 v1, $1.000000000e+00  }
0x22e: {  	[tilespmem:s2+$0xE000] =	vst v1;
	s2 =	sshra.s32 s19, $0x2;
	s19 =	sadd.s32 $0x40, s19  }
0x22f: {  	v1 =	vld [tilespmem:s2+$0xE000];
	_ =	sdelay $0x4  }
0x230: {  	v1 =	vmax.f32 v1, $0.0e+00  }
0x231: {  	v1 =	vmin.f32 v1, $1.000000000e+00  }
0x232: {  	s31 =	simm.s32 $0x0;
	s19 =	rddreg [dreg:$0x6];
	[tilespmem:s2+$0xE000] =	vst v1  }
0x233: {  	[hbm4b:s19+s31] =	stream.linear.scatter [tilespmem:s0], [sflag:$0x2], $0x3000, $0x38;
	[tilespmem:$0x1D000] =	vst v63  }
0x234: {  	_ =	swait.ge [sflag:s21], $0x3000  }
0x235: {  	[sflag:s21] =	ssyncset.done $0x0  }
0x236: {  	s20 =	rddreg [dreg:$0x9];
	[sflag:s21] =	ssyncadd.s32 $0xFFFFD000  }
0x237: {  	[tilespmem:s0], [sflag:$0x2] =	stream.linear.gather [spmem:s20], $0x3000, $0x38;
	[tilespmem:$0x1D000] =	vst v63  }
0x238: {  	_ =	swait.ge [sflag:s21], $0x3000  }
0x239: {  	s2 =	simm.s32 $0x0;
	[sflag:s21] =	ssyncset.done $0x0  }
0x23a: {  	s19 =	simm.s32 $0x40;
	s22 =	rddreg [dreg:$0xa];
	[sflag:s21] =	ssyncadd.s32 $0xFFFFD000  }
.LBB2_52:
0x23b: {  	p0 =	sne.s32 s19, $0xBFC0;
	v1 =	vld [tilespmem:s2+$0xE000];
	_ =	sdelay $0x2  }
.Ltmp25:
0x23c: {  	(pc) =	sbr.rel @p0 .LBB2_52-.Ltmp25, $4  }
0x23d: {  	_ = 	snop  }
0x23e: {  	v1 =	vmax.f32 v1, $0.0e+00  }
0x23f: {  	v1 =	vmin.f32 v1, $1.000000000e+00  }
0x240: {  	[tilespmem:s2+$0xE000] =	vst v1;
	s2 =	sshra.s32 s19, $0x2;
	s19 =	sadd.s32 $0x40, s19  }
0x241: {  	v1 =	vld [tilespmem:s2+$0xE000];
	_ =	sdelay $0x4  }
0x242: {  	v1 =	vmax.f32 v1, $0.0e+00  }
0x243: {  	v1 =	vmin.f32 v1, $1.000000000e+00  }
0x244: {  	s31 =	simm.s32 $0x0;
	s19 =	rddreg [dreg:$0x7];
	[tilespmem:s2+$0xE000] =	vst v1  }
0x245: {  	[hbm4b:s19+s31] =	stream.linear.scatter [tilespmem:s0], [sflag:$0x2], $0x3000, $0x38;
	[tilespmem:$0x1D000] =	vst v63  }
0x246: {  	_ =	swait.ge [sflag:s21], $0x3000  }
0x247: {  	[sflag:s21] =	ssyncset.done $0x0  }
0x248: {  	[sflag:s21] =	ssyncadd.s32 $0xFFFFD000  }
0x249: {  	[tilespmem:s0], [sflag:$0x2] =	stream.linear.gather [spmem:s22], $0x3000, $0x38;
	[tilespmem:$0x1D000] =	vst v63  }
0x24a: {  	_ =	swait.ge [sflag:s21], $0x3000  }
0x24b: {  	[sflag:s21] =	ssyncset.done $0x0  }
0x24c: {  	s2 =	simm.s32 $0x0;
	s19 =	simm.s32 $0x40;
	[sflag:s21] =	ssyncadd.s32 $0xFFFFD000  }
.LBB2_54:
0x24d: {  	p0 =	sne.s32 s19, $0xBFC0;
	v1 =	vld [tilespmem:s2+$0xE000];
	_ =	sdelay $0x2  }
.Ltmp26:
0x24e: {  	(pc) =	sbr.rel @p0 .LBB2_54-.Ltmp26, $4  }
0x24f: {  	_ = 	snop  }
0x250: {  	v1 =	vmax.f32 v1, $0.0e+00  }
0x251: {  	v1 =	vmin.f32 v1, $1.000000000e+00  }
0x252: {  	[tilespmem:s2+$0xE000] =	vst v1;
	s2 =	sshra.s32 s19, $0x2;
	s19 =	sadd.s32 $0x40, s19  }
0x253: {  	v1 =	vld [tilespmem:s2+$0xE000];
	_ =	sdelay $0x4  }
0x254: {  	v1 =	vmax.f32 v1, $0.0e+00  }
0x255: {  	v1 =	vmin.f32 v1, $1.000000000e+00  }
0x256: {  	s31 =	simm.s32 $0x0;
	s19 =	rddreg [dreg:$0xd];
	[tilespmem:s2+$0xE000] =	vst v1  }
0x257: {  	[hbm4b:s19+s31] =	stream.linear.scatter [tilespmem:s0], [sflag:$0x2], $0x3000, $0x38;
	[tilespmem:$0x1D000] =	vst v63  }
0x258: {  	_ =	swait.ge [sflag:s21], $0x3000  }
0x259: {  	[sflag:s21] =	ssyncset.done $0x0  }
0x25a: {  	[sflag:s21] =	ssyncadd.s32 $0xFFFFD000  }
0x25b: {  	[tilespmem:s0], [sflag:$0x2] =	stream.linear.gather [spmem:s29], $0x3000, $0x38;
	[tilespmem:$0x1D000] =	vst v63  }
0x25c: {  	_ =	swait.ge [sflag:s21], $0x3000  }
0x25d: {  	[sflag:s21] =	ssyncset.done $0x0  }
0x25e: {  	s2 =	simm.s32 $0x0;
	s19 =	simm.s32 $0x40;
	[sflag:s21] =	ssyncadd.s32 $0xFFFFD000  }
.LBB2_56:
0x25f: {  	p0 =	sne.s32 s19, $0xBFC0;
	v1 =	vld [tilespmem:s2+$0xE000];
	_ =	sdelay $0x2  }
.Ltmp27:
0x260: {  	(pc) =	sbr.rel @p0 .LBB2_56-.Ltmp27, $4  }
0x261: {  	_ = 	snop  }
0x262: {  	v1 =	vmax.f32 v1, $0.0e+00  }
0x263: {  	v1 =	vmin.f32 v1, $1.000000000e+00  }
0x264: {  	[tilespmem:s2+$0xE000] =	vst v1;
	s2 =	sshra.s32 s19, $0x2;
	s19 =	sadd.s32 $0x40, s19  }
0x265: {  	v1 =	vld [tilespmem:s2+$0xE000];
	_ =	sdelay $0x4  }
0x266: {  	v1 =	vmax.f32 v1, $0.0e+00  }
0x267: {  	v1 =	vmin.f32 v1, $1.000000000e+00  }
0x268: {  	s30 =	rddreg [dreg:$0xe];
	[tilespmem:s2+$0xE000] =	vst v1  }
0x269: {  	[hbm4b:s30+s1] =	stream.linear.scatter [tilespmem:s0], [sflag:$0x2], $0x3000, $0x38;
	[tilespmem:$0x1D000] =	vst v63  }
0x26a: {  	_ =	swait.ge [sflag:s21], $0x3000  }
0x26b: {  	s25 =	sadd.s32 $0x1, s25;
	s31 =	rddreg [dreg:$0x8]  }
0x26c: {  	p0 =	sne.s32 s25, s31  }
.Ltmp28:
0x26d: {  	_ = 	snop;
	(pc) =	sbr.rel @p0 .LBB2_1-.Ltmp28, $3  }
0x26e: {  	[sflag:s21] =	ssyncset.done $0x0  }
0x26f: {  	[sflag:s21] =	ssyncadd.s32 $0xFFFFD000  }
0x270: {  	[bflag:$0x0] =	sbarrier.arrive $0xFFFF;
	_ =	sdelay $0x1  }
0x271: {  	_ =	sfence.sel $0x180000  }
0x272: {  	[bflag:$0x0] =	sbarrier.arrive $0xFFFF  }
0x273: {  	_ =	strace $0x90000047  }
0x274: {  	s0 =	stileid.u32;
	[bflag:$0x2] =	sbarrier.arrive $0xFFFF  }
0x275: {  	p0 =	sne.s32 s0, $0x0;
	s0 =	rddreg [dreg:$0x3]  }
0x276: {  	s0 =	sadd.s32 @!p0 $0x100000, s0  }
0x277: {  	[sflag:s0] =	ssyncadd.tile.s32 @!p0 $0x1;
	_ =	shalt  }
.Lfunc_end2:
_tile_overlayer_lowered:
.L_overlay_start_2:
0x278: {  	(tag) =	ssettag $0x2  }
0x279: {  	s0 =	rddreg [dreg:$0x0];
	s2 =	stileid.u32  }
0x27a: {  	s1 =	rddreg [dreg:$0x1];
	p0 =	sne.s32 s2, $0x0  }
0x27b: {  	s3 =	rddreg [dreg:$0x2];
	[bflag:$0x3] =	sbarrier.arrive $0xFFFF;
	s2 =	simm.s32 @!p0 $0x1C02  }
0x27c: {  	[timem:s3], [sflag:s2] =	dma.local @!p0 [hbm:s0], s1  }
0x27d: {  	s0 =	simm.s32 @!p0 $0x2  }
0x27e: {  	_ =	swait.ge @!p0 [sflag:s0], s1  }
0x27f: {  	s1 =	ssub.s32 @!p0 $0x0, s1;
	[sflag:s0] =	ssyncset.done @!p0 $0x0  }
0x280: {  	[sflag:s0] =	ssyncadd.s32 @!p0 s1  }
0x281: {  	[bflag:$0x3] =	sbarrier.arrive $0xFFFF  }
0x282: {  	_ =	shalt  }

</sc_bundles>
